<compile_context>
chip_gen: v7x
topology: tpu7x:2x2x1
jax: 0.10.2.dev20260603
libtpu: 0.0.44.dev20260713+nightly
codegen_flags: <defaults>
</compile_context>

<pallas_src>
import functools

import jax
import jax.numpy as jnp
from jax import lax
from jax.experimental import pallas as pl
from jax.experimental.pallas import tpu as pltpu
from jax.experimental.pallas import tpu_sc as plsc

_B, _N, _S, _K, _C = 8, 4096, 512, 32, 128


_QB = 256



def _fps_body(pts_ref, out_ref, q_ref, iota_ref, col_ref):
    xs = pts_ref[0:_B, :]
    ys = pts_ref[_B:2 * _B, :]
    zs = pts_ref[2 * _B:3 * _B, :]
    iota_ref[...] = lax.broadcasted_iota(
        jnp.int32, (_B, _N), 1).astype(jnp.float32)
    col_ref[...] = lax.broadcasted_iota(
        jnp.int32, (_B, _S), 1).astype(jnp.float32)
    iota = iota_ref[...]
    col = col_ref[...]
    nf = jnp.float32(_N)

    def body(t, carry):
        dists, far, cx, cy, cz, outv, lcx, lcy, lcz = carry
        hitf = (col == t.astype(jnp.float32)).astype(jnp.float32)
        outv = outv + hitf * jnp.broadcast_to(far, (_B, _S))
        lcx = lcx + hitf * jnp.broadcast_to(cx, (_B, _S))
        lcy = lcy + hitf * jnp.broadcast_to(cy, (_B, _S))
        lcz = lcz + hitf * jnp.broadcast_to(cz, (_B, _S))
        dx = xs - jnp.broadcast_to(cx, (_B, _N))
        dy = ys - jnp.broadcast_to(cy, (_B, _N))
        dz = zs - jnp.broadcast_to(cz, (_B, _N))
        d = dx * dx + dy * dy + dz * dz
        dists = jnp.minimum(dists, d)
        dv, iv, xv, yv, zv = dists, iota, xs, ys, zs
        w = _N
        while w > 128:
            h = w // 2
            dl, dr = dv[:, :h], dv[:, h:]
            il, ir = iv[:, :h], iv[:, h:]
            take_r = (dr > dl) | ((dr == dl) & (ir < il))
            dv = jnp.where(take_r, dr, dl)
            iv = jnp.where(take_r, ir, il)
            xv = jnp.where(take_r, xv[:, h:], xv[:, :h])
            yv = jnp.where(take_r, yv[:, h:], yv[:, :h])
            zv = jnp.where(take_r, zv[:, h:], zv[:, :h])
            w = h
        m = jnp.max(dv, axis=1, keepdims=True)
        candm = jnp.where(dv == jnp.broadcast_to(m, (_B, 128)), iv, nf)
        far2 = jnp.min(candm, axis=1, keepdims=True)
        pos = (iv == jnp.broadcast_to(far2, (_B, 128))).astype(jnp.float32)
        cx2 = jnp.sum(pos * xv, axis=1, keepdims=True)
        cy2 = jnp.sum(pos * yv, axis=1, keepdims=True)
        cz2 = jnp.sum(pos * zv, axis=1, keepdims=True)
        return dists, far2, cx2, cy2, cz2, outv, lcx, lcy, lcz

    dists0 = jnp.full((_B, _N), 1e10, jnp.float32)
    far0 = jnp.zeros((_B, 1), jnp.float32)
    cx0 = xs[:, 0:1]
    cy0 = ys[:, 0:1]
    cz0 = zs[:, 0:1]
    z = jnp.zeros((_B, _S), jnp.float32)
    out = lax.fori_loop(
        0, _S, body, (dists0, far0, cx0, cy0, cz0, z, z, z, z))
    _, _, _, _, _, outv, lcx, lcy, lcz = out
    out_ref[...] = outv.astype(jnp.int32)
    q_ref[0:_B, :] = lcx
    q_ref[_B:2 * _B, :] = lcy
    q_ref[2 * _B:3 * _B, :] = lcz


def _fps(pts):
    return pl.pallas_call(
        _fps_body,
        out_shape=(
            jax.ShapeDtypeStruct((_B, _S), jnp.int32),
            jax.ShapeDtypeStruct((3 * _B, _S), jnp.float32),
        ),
        scratch_shapes=[
            pltpu.VMEM((_B, _N), jnp.float32),
            pltpu.VMEM((_B, _S), jnp.float32),
        ],
    )(pts)



def _knn_body(q_ref, p_ref, out_ref, dist_ref, iota_ref, kcol_ref):
    px = p_ref[0, 0]
    py = p_ref[1, 0]
    pz = p_ref[2, 0]
    qx = q_ref[0, 0]
    qy = q_ref[1, 0]
    qz = q_ref[2, 0]
    def rb(v):
        return v.astype(jnp.bfloat16).astype(jnp.float32)

    dot = (rb(qx) * rb(px) + rb(qy) * rb(py)) + rb(qz) * rb(pz)
    q2 = (qx * qx + qy * qy) + qz * qz
    p2 = (px * px + py * py) + pz * pz
    dist_ref[...] = (-2.0 * dot + q2) + p2

    iota_ref[...] = lax.broadcasted_iota(
        jnp.int32, (_QB, _N), 1).astype(jnp.float32)
    kcol_ref[...] = lax.broadcasted_iota(jnp.int32, (_QB, _K), 1)
    iota = iota_ref[...]
    kcol = kcol_ref[...]
    big = jnp.float32(1e30)
    nf = jnp.float32(_N)

    def body(k, outv):
        d = dist_ref[...]
        m = jnp.min(d, axis=1, keepdims=True)
        cand = jnp.where(d == jnp.broadcast_to(m, (_QB, _N)), iota, nf)
        idx = jnp.min(cand, axis=1, keepdims=True)
        hiti = (kcol == k).astype(jnp.int32)
        outv = outv + hiti * jnp.broadcast_to(
            idx.astype(jnp.int32), (_QB, _K))
        picked = jnp.broadcast_to(idx, (_QB, _N)) == iota
        dist_ref[...] = jnp.where(picked, big, d)
        return outv

    outv = lax.fori_loop(0, _K, body, jnp.zeros((_QB, _K), jnp.int32))
    out_ref[...] = outv.reshape(1, _QB, _K)


def _knn(q, pts4):
    return pl.pallas_call(
        _knn_body,
        grid=(_B, _S // _QB),
        in_specs=[
            pl.BlockSpec((3, 1, _QB, 1), lambda b, j: (0, b, j, 0)),
            pl.BlockSpec((3, 1, 1, _N), lambda b, j: (0, b, 0, 0)),
        ],
        out_specs=pl.BlockSpec((1, _QB, _K), lambda b, j: (b, j, 0)),
        out_shape=jax.ShapeDtypeStruct((_B, _S, _K), jnp.int32),
        scratch_shapes=[
            pltpu.VMEM((_QB, _N), jnp.float32),
            pltpu.VMEM((_QB, _N), jnp.float32),
            pltpu.VMEM((_QB, _K), jnp.int32),
        ],
    )(q, pts4)



@functools.lru_cache(maxsize=None)
def _make_sc_gather(n_idx, n_tables):
    info = plsc.get_sparse_core_info()
    nc, ns = info.num_cores, info.num_subcores
    nw = nc * ns
    per_w = n_idx // nw
    ch = min(per_w, 128)
    chunks = per_w // ch
    grp = min(2, chunks)
    groups = chunks // grp
    mesh = plsc.VectorSubcoreMesh(core_axis_name="c", subcore_axis_name="s")

    @functools.partial(
        pl.kernel,
        mesh=mesh,
        out_type=tuple(
            jax.ShapeDtypeStruct((n_idx, _C), jnp.float32)
            for _ in range(n_tables)
        ),
        scratch_types=(
            [pltpu.VMEM((grp * ch,), jnp.int32)]
            + [pltpu.VMEM((grp * ch, _C), jnp.float32)
               for _ in range(n_tables)]
            + [pltpu.SemaphoreType.DMA for _ in range(n_tables)]
        ),
    )
    def k(idx_hbm, *rest):
        tables = rest[:n_tables]
        outs = rest[n_tables:2 * n_tables]
        idx_v = rest[2 * n_tables]
        rows = rest[2 * n_tables + 1:2 * n_tables + 1 + n_tables]
        sems = rest[2 * n_tables + 1 + n_tables:]
        wid = lax.axis_index("s") * nc + lax.axis_index("c")
        base = wid * per_w

        def body(g, carry):
            off = base + g * grp * ch
            pltpu.sync_copy(idx_hbm.at[pl.ds(off, grp * ch)], idx_v)
            cps = []
            for j in range(grp):
                sl = pl.ds(j * ch, ch)
                for t, r, s in zip(tables, rows, sems):
                    cps.append(pltpu.async_copy(t.at[idx_v.at[sl]],
                                                r.at[sl], s))
            for cp in cps:
                cp.wait()
            for r, o in zip(rows, outs):
                pltpu.sync_copy(r, o.at[pl.ds(off, grp * ch)])
            return carry

        lax.fori_loop(0, groups, body, 0)

    return k



def kernel(xyz, x):
    pts = jnp.transpose(xyz, (2, 0, 1)).reshape(3 * _B, _N)
    pts4 = pts.reshape(3, _B, 1, _N)
    x2d = x.reshape(_B * _N, _C)
    xyz128 = jnp.pad(xyz, ((0, 0), (0, 0), (0, _C - 3)))
    xyz128 = xyz128.reshape(_B * _N, _C)
    row_off = jnp.arange(_B, dtype=jnp.int32) * _N

    fps_idx, qpts = _fps(pts)
    lc_xyz = qpts.reshape(3, _B, _S).transpose(1, 2, 0)

    gidx_lc = (fps_idx + row_off[:, None]).reshape(-1)
    (lc_x_flat,) = _make_sc_gather(_B * _S, 1)(gidx_lc, x2d)
    lc_x = lc_x_flat.reshape(_B, _S, _C)

    q = qpts.reshape(3, _B, _S, 1)
    knn_idx = _knn(q, pts4)

    gidx_knn = (knn_idx + row_off[:, None, None]).reshape(-1)
    knn_x_flat, knn_xyz_flat = _make_sc_gather(_B * _S * _K, 2)(
        gidx_knn, x2d, xyz128)
    knn_x = knn_x_flat.reshape(_B, _S, _K, _C)
    knn_xyz = knn_xyz_flat[:, :3].reshape(_B, _S, _K, 3)

    return (lc_xyz, lc_x, knn_xyz, knn_x)

# --- scband reference (transcript-rebuilt; emitter-appended) ---
"""Pipeline reference for scband-fps-k-nn-5188320494094 (READ-ONLY COPY).

The authoritative reference and input builder live on the scoring server;
editing this copy changes nothing except your own understanding.
"""

import jax, jax.numpy as jnp
import numpy as np

GROUP_NUM = 512
K_NEIGHBORS = 32


def index_points(points, idx):
    # points: [B, N, C]; idx: [B, S] or [B, S, K]
    B = points.shape[0]
    batch = jnp.arange(B).reshape((B,) + (1,) * (idx.ndim - 1))
    return points[batch, idx]


def square_distance(src, dst):
    # src: [B, S, C], dst: [B, N, C] -> [B, S, N]
    d = -2.0 * jnp.einsum('bsc,bnc->bsn', src, dst)
    d = d + jnp.sum(src ** 2, axis=-1)[..., None]
    d = d + jnp.sum(dst ** 2, axis=-1)[:, None, :]
    return d


def furthest_point_sample(xyz, npoint):
    # xyz: [B, N, 3] -> int32 [B, npoint]
    xyz = jax.lax.stop_gradient(xyz)
    B, N, _ = xyz.shape
    dists0 = jnp.full((B, N), 1e10, dtype=xyz.dtype)
    farthest0 = jnp.zeros((B,), dtype=jnp.int32)

    def body(carry, _):
        dists, farthest = carry
        centroid = jnp.take_along_axis(xyz, farthest[:, None, None], axis=1)  # [B,1,3]
        d = jnp.sum((xyz - centroid) ** 2, axis=-1)  # [B,N]
        dists = jnp.minimum(dists, d)
        new_far = jnp.argmax(dists, axis=-1).astype(jnp.int32)
        return (dists, new_far), farthest

    _, idxs = jax.lax.scan(body, (dists0, farthest0), None, length=npoint)
    return jnp.transpose(idxs)  # [B, npoint]


def knn_point(k, xyz, new_xyz):
    # xyz: [B,N,3] database; new_xyz: [B,S,3] queries -> [B,S,k] indices
    sqrdists = square_distance(new_xyz, xyz)  # [B,S,N]
    _, idx = jax.lax.top_k(-sqrdists, k)
    return idx


def setup_inputs(seed: int = 0) -> dict:
    key = jax.random.key(seed)
    k1, k2 = jax.random.split(key)
    xyz = jax.random.normal(k1, (8, 4096, 3), dtype=jnp.float32)
    x = jax.random.normal(k2, (8, 4096, 128), dtype=jnp.float32)
    return {"xyz": xyz, "x": x}


def reference(xyz, x):
    fps_idx = furthest_point_sample(xyz, GROUP_NUM)       # [B, S]
    lc_xyz = index_points(xyz, fps_idx)                    # [B, S, 3]
    lc_x = index_points(x, fps_idx)                        # [B, S, C]
    knn_idx = knn_point(K_NEIGHBORS, xyz, lc_xyz)          # [B, S, K]
    knn_xyz = index_points(xyz, knn_idx)                   # [B, S, K, 3]
    knn_x = index_points(x, knn_idx)                       # [B, S, K, C]
    return (lc_xyz, lc_x, knn_xyz, knn_x)

if __name__ == "__main__":
    import jax
    _d = setup_inputs()
    print(jax.jit(kernel)(*tuple(_d.values())))

</pallas_src>

<mosaic_0001>
#map = affine_map<(d0, d1) -> (0)>
#map1 = affine_map<(d0, d1) -> (0, 0)>
module attributes {stable_mosaic.version = 14 : i64} {
  func.func @k(%arg0: i32, %arg1: i32, %arg2: memref<131072xi32, #tpu.memory_space<hbm>>, %arg3: memref<32768x128xf32, #tpu.memory_space<hbm>>, %arg4: memref<32768x128xf32, #tpu.memory_space<hbm>>, %arg5: memref<131072x128xf32, #tpu.memory_space<hbm>>, %arg6: memref<131072x128xf32, #tpu.memory_space<hbm>>, %arg7: memref<256xi32, #tpu.memory_space<vmem>>, %arg8: memref<256x128xf32, #tpu.memory_space<vmem>>, %arg9: memref<256x128xf32, #tpu.memory_space<vmem>>, %arg10: memref<!tpu.dma_semaphore, #tpu.memory_space<semaphore_mem>>, %arg11: memref<!tpu.dma_semaphore, #tpu.memory_space<semaphore_mem>>) attributes {dimension_semantics = [#tpu.dimension_semantics<core_parallel>, #tpu.dimension_semantics<subcore_parallel>], iteration_bounds = array<i64: 2, 16>, scalar_prefetch = 0 : i64, scratch_operands = 5 : i64, tpu.core_type = #tpu.core_type<sc_vector_subcore>, window_params = [{transform_indices = #map}, {transform_indices = #map1}, {transform_indices = #map1}, {transform_indices = #map1}, {transform_indices = #map1}]} {
    %mul3A = arith.constant 2 : i32
    %mul3A_0 = arith.muli %arg1, %mul3A : i32
    %add3A = arith.addi %mul3A_0, %arg0 : i32
    %mul3A_1 = arith.constant 4096 : i32
    %mul3A_2 = arith.muli %add3A, %mul3A_1 : i32
    %scan3A = arith.constant 0 : i32
    %scan3A_3 = arith.constant 0 : i32
    %scan3A_4 = arith.constant 16 : i32
    %scan3A_5 = arith.addi %scan3A_3, %scan3A_4 : i32
    %scan3A_6 = arith.constant 1 : i32
    scf.for %scan3A_8 = %scan3A_3 to %scan3A_5 step %scan3A_6  : i32 {
      %mul3A_9 = arith.constant 2 : i32
      %mul3A_10 = arith.muli %scan3A_8, %mul3A_9 : i32
      %mul3A_11 = arith.constant 128 : i32
      %mul3A_12 = arith.muli %mul3A_10, %mul3A_11 : i32
      %add3A_13 = arith.addi %mul3A_2, %mul3A_12 : i32
      "tpu.region"() ({
        %run_scoped3A = tpu.sem_alloc : memref<!tpu.dma_semaphore, #tpu.memory_space<semaphore_mem>>
        %dma_start3A_76 = tpu.memref_slice %arg2[%add3A_13] : memref<131072xi32, #tpu.memory_space<hbm>> -> memref<256xi32, #tpu.memory_space<hbm>>
        %dma_start3A_77 = tpu.memref_slice %arg2[%add3A_13] : memref<131072xi32, #tpu.memory_space<hbm>> -> memref<256xi32, #tpu.memory_space<hbm>>
        tpu.enqueue_dma source(%dma_start3A_77 : memref<256xi32, #tpu.memory_space<hbm>>) target(%arg7 : memref<256xi32, #tpu.memory_space<vmem>>) target_semaphore(%run_scoped3A : memref<!tpu.dma_semaphore, #tpu.memory_space<semaphore_mem>>)
        %dma_wait3A_78 = tpu.memref_slice %arg2[%add3A_13] : memref<131072xi32, #tpu.memory_space<hbm>> -> memref<256xi32, #tpu.memory_space<hbm>>
        %dma_wait3A_79 = tpu.memref_slice %arg2[%add3A_13] : memref<131072xi32, #tpu.memory_space<hbm>> -> memref<256xi32, #tpu.memory_space<hbm>>
        tpu.wait_dma2 semaphore(%run_scoped3A : memref<!tpu.dma_semaphore, #tpu.memory_space<semaphore_mem>>) src(%dma_wait3A_79 : memref<256xi32, #tpu.memory_space<hbm>>) dst(%arg7 : memref<256xi32, #tpu.memory_space<vmem>>)
        tpu.yield
      }) : () -> ()
      %dma_start3A = arith.constant 0 : i32
      %dma_start3A_14 = arith.constant 0 : i32
      %dma_start3A_15 = tpu.memref_slice %arg8[%dma_start3A, %dma_start3A_14] : memref<256x128xf32, #tpu.memory_space<vmem>> -> memref<128x128xf32, #tpu.memory_space<vmem>>
      %dma_start3A_16 = arith.constant 0 : i32
      %dma_start3A_17 = tpu.memref_slice %arg7[%dma_start3A_16] : memref<256xi32, #tpu.memory_space<vmem>> -> memref<128xi32, #tpu.memory_space<vmem>>
      %dma_start3A_18 = arith.constant 0 : i32
      %dma_start3A_19 = arith.constant 0 : i32
      %dma_start3A_20 = tpu.memref_slice %arg3[%dma_start3A_18, %dma_start3A_19] : memref<32768x128xf32, #tpu.memory_space<hbm>> -> memref<32768x128xf32, #tpu.memory_space<hbm>>
      tpu.enqueue_indirect_dma source(%dma_start3A_20 : memref<32768x128xf32, #tpu.memory_space<hbm>>) target(%dma_start3A_15 : memref<128x128xf32, #tpu.memory_space<vmem>>) offsets(%dma_start3A_17 : memref<128xi32, #tpu.memory_space<vmem>>) semaphore(%arg10 : memref<!tpu.dma_semaphore, #tpu.memory_space<semaphore_mem>>)
      %dma_start3A_21 = arith.constant 0 : i32
      %dma_start3A_22 = arith.constant 0 : i32
      %dma_start3A_23 = tpu.memref_slice %arg9[%dma_start3A_21, %dma_start3A_22] : memref<256x128xf32, #tpu.memory_space<vmem>> -> memref<128x128xf32, #tpu.memory_space<vmem>>
      %dma_start3A_24 = arith.constant 0 : i32
      %dma_start3A_25 = tpu.memref_slice %arg7[%dma_start3A_24] : memref<256xi32, #tpu.memory_space<vmem>> -> memref<128xi32, #tpu.memory_space<vmem>>
      %dma_start3A_26 = arith.constant 0 : i32
      %dma_start3A_27 = arith.constant 0 : i32
      %dma_start3A_28 = tpu.memref_slice %arg4[%dma_start3A_26, %dma_start3A_27] : memref<32768x128xf32, #tpu.memory_space<hbm>> -> memref<32768x128xf32, #tpu.memory_space<hbm>>
      tpu.enqueue_indirect_dma source(%dma_start3A_28 : memref<32768x128xf32, #tpu.memory_space<hbm>>) target(%dma_start3A_23 : memref<128x128xf32, #tpu.memory_space<vmem>>) offsets(%dma_start3A_25 : memref<128xi32, #tpu.memory_space<vmem>>) semaphore(%arg11 : memref<!tpu.dma_semaphore, #tpu.memory_space<semaphore_mem>>)
      %dma_start3A_29 = arith.constant 128 : i32
      %dma_start3A_30 = arith.constant 0 : i32
      %dma_start3A_31 = tpu.memref_slice %arg8[%dma_start3A_29, %dma_start3A_30] : memref<256x128xf32, #tpu.memory_space<vmem>> -> memref<128x128xf32, #tpu.memory_space<vmem>>
      %dma_start3A_32 = arith.constant 128 : i32
      %dma_start3A_33 = tpu.memref_slice %arg7[%dma_start3A_32] : memref<256xi32, #tpu.memory_space<vmem>> -> memref<128xi32, #tpu.memory_space<vmem>>
      %dma_start3A_34 = arith.constant 0 : i32
      %dma_start3A_35 = arith.constant 0 : i32
      %dma_start3A_36 = tpu.memref_slice %arg3[%dma_start3A_34, %dma_start3A_35] : memref<32768x128xf32, #tpu.memory_space<hbm>> -> memref<32768x128xf32, #tpu.memory_space<hbm>>
      tpu.enqueue_indirect_dma source(%dma_start3A_36 : memref<32768x128xf32, #tpu.memory_space<hbm>>) target(%dma_start3A_31 : memref<128x128xf32, #tpu.memory_space<vmem>>) offsets(%dma_start3A_33 : memref<128xi32, #tpu.memory_space<vmem>>) semaphore(%arg10 : memref<!tpu.dma_semaphore, #tpu.memory_space<semaphore_mem>>)
      %dma_start3A_37 = arith.constant 128 : i32
      %dma_start3A_38 = arith.constant 0 : i32
      %dma_start3A_39 = tpu.memref_slice %arg9[%dma_start3A_37, %dma_start3A_38] : memref<256x128xf32, #tpu.memory_space<vmem>> -> memref<128x128xf32, #tpu.memory_space<vmem>>
      %dma_start3A_40 = arith.constant 128 : i32
      %dma_start3A_41 = tpu.memref_slice %arg7[%dma_start3A_40] : memref<256xi32, #tpu.memory_space<vmem>> -> memref<128xi32, #tpu.memory_space<vmem>>
      %dma_start3A_42 = arith.constant 0 : i32
      %dma_start3A_43 = arith.constant 0 : i32
      %dma_start3A_44 = tpu.memref_slice %arg4[%dma_start3A_42, %dma_start3A_43] : memref<32768x128xf32, #tpu.memory_space<hbm>> -> memref<32768x128xf32, #tpu.memory_space<hbm>>
      tpu.enqueue_indirect_dma source(%dma_start3A_44 : memref<32768x128xf32, #tpu.memory_space<hbm>>) target(%dma_start3A_39 : memref<128x128xf32, #tpu.memory_space<vmem>>) offsets(%dma_start3A_41 : memref<128xi32, #tpu.memory_space<vmem>>) semaphore(%arg11 : memref<!tpu.dma_semaphore, #tpu.memory_space<semaphore_mem>>)
      %dma_wait3A = arith.constant 0 : i32
      %dma_wait3A_45 = arith.constant 0 : i32
      %dma_wait3A_46 = tpu.memref_slice %arg8[%dma_wait3A, %dma_wait3A_45] : memref<256x128xf32, #tpu.memory_space<vmem>> -> memref<128x128xf32, #tpu.memory_space<vmem>>
      %dma_wait3A_47 = arith.constant 0 : i32
      %dma_wait3A_48 = tpu.memref_slice %arg7[%dma_wait3A_47] : memref<256xi32, #tpu.memory_space<vmem>> -> memref<128xi32, #tpu.memory_space<vmem>>
      %dma_wait3A_49 = arith.constant 0 : i32
      %dma_wait3A_50 = arith.constant 0 : i32
      %dma_wait3A_51 = tpu.memref_slice %arg3[%dma_wait3A_49, %dma_wait3A_50] : memref<32768x128xf32, #tpu.memory_space<hbm>> -> memref<32768x128xf32, #tpu.memory_space<hbm>>
      tpu.wait_indirect_dma semaphore(%arg10 : memref<!tpu.dma_semaphore, #tpu.memory_space<semaphore_mem>>) src(%dma_wait3A_51 : memref<32768x128xf32, #tpu.memory_space<hbm>>) dst(%dma_wait3A_46 : memref<128x128xf32, #tpu.memory_space<vmem>>)
      %dma_wait3A_52 = arith.constant 0 : i32
      %dma_wait3A_53 = arith.constant 0 : i32
      %dma_wait3A_54 = tpu.memref_slice %arg9[%dma_wait3A_52, %dma_wait3A_53] : memref<256x128xf32, #tpu.memory_space<vmem>> -> memref<128x128xf32, #tpu.memory_space<vmem>>
      %dma_wait3A_55 = arith.constant 0 : i32
      %dma_wait3A_56 = tpu.memref_slice %arg7[%dma_wait3A_55] : memref<256xi32, #tpu.memory_space<vmem>> -> memref<128xi32, #tpu.memory_space<vmem>>
      %dma_wait3A_57 = arith.constant 0 : i32
      %dma_wait3A_58 = arith.constant 0 : i32
      %dma_wait3A_59 = tpu.memref_slice %arg4[%dma_wait3A_57, %dma_wait3A_58] : memref<32768x128xf32, #tpu.memory_space<hbm>> -> memref<32768x128xf32, #tpu.memory_space<hbm>>
      tpu.wait_indirect_dma semaphore(%arg11 : memref<!tpu.dma_semaphore, #tpu.memory_space<semaphore_mem>>) src(%dma_wait3A_59 : memref<32768x128xf32, #tpu.memory_space<hbm>>) dst(%dma_wait3A_54 : memref<128x128xf32, #tpu.memory_space<vmem>>)
      %dma_wait3A_60 = arith.constant 128 : i32
      %dma_wait3A_61 = arith.constant 0 : i32
      %dma_wait3A_62 = tpu.memref_slice %arg8[%dma_wait3A_60, %dma_wait3A_61] : memref<256x128xf32, #tpu.memory_space<vmem>> -> memref<128x128xf32, #tpu.memory_space<vmem>>
      %dma_wait3A_63 = arith.constant 128 : i32
      %dma_wait3A_64 = tpu.memref_slice %arg7[%dma_wait3A_63] : memref<256xi32, #tpu.memory_space<vmem>> -> memref<128xi32, #tpu.memory_space<vmem>>
      %dma_wait3A_65 = arith.constant 0 : i32
      %dma_wait3A_66 = arith.constant 0 : i32
      %dma_wait3A_67 = tpu.memref_slice %arg3[%dma_wait3A_65, %dma_wait3A_66] : memref<32768x128xf32, #tpu.memory_space<hbm>> -> memref<32768x128xf32, #tpu.memory_space<hbm>>
      tpu.wait_indirect_dma semaphore(%arg10 : memref<!tpu.dma_semaphore, #tpu.memory_space<semaphore_mem>>) src(%dma_wait3A_67 : memref<32768x128xf32, #tpu.memory_space<hbm>>) dst(%dma_wait3A_62 : memref<128x128xf32, #tpu.memory_space<vmem>>)
      %dma_wait3A_68 = arith.constant 128 : i32
      %dma_wait3A_69 = arith.constant 0 : i32
      %dma_wait3A_70 = tpu.memref_slice %arg9[%dma_wait3A_68, %dma_wait3A_69] : memref<256x128xf32, #tpu.memory_space<vmem>> -> memref<128x128xf32, #tpu.memory_space<vmem>>
      %dma_wait3A_71 = arith.constant 128 : i32
      %dma_wait3A_72 = tpu.memref_slice %arg7[%dma_wait3A_71] : memref<256xi32, #tpu.memory_space<vmem>> -> memref<128xi32, #tpu.memory_space<vmem>>
      %dma_wait3A_73 = arith.constant 0 : i32
      %dma_wait3A_74 = arith.constant 0 : i32
      %dma_wait3A_75 = tpu.memref_slice %arg4[%dma_wait3A_73, %dma_wait3A_74] : memref<32768x128xf32, #tpu.memory_space<hbm>> -> memref<32768x128xf32, #tpu.memory_space<hbm>>
      tpu.wait_indirect_dma semaphore(%arg11 : memref<!tpu.dma_semaphore, #tpu.memory_space<semaphore_mem>>) src(%dma_wait3A_75 : memref<32768x128xf32, #tpu.memory_space<hbm>>) dst(%dma_wait3A_70 : memref<128x128xf32, #tpu.memory_space<vmem>>)
      "tpu.region"() ({
        %run_scoped3A = tpu.sem_alloc : memref<!tpu.dma_semaphore, #tpu.memory_space<semaphore_mem>>
        %dma_start3A_76 = arith.constant 0 : i32
        %dma_start3A_77 = tpu.memref_slice %arg5[%add3A_13, %dma_start3A_76] : memref<131072x128xf32, #tpu.memory_space<hbm>> -> memref<256x128xf32, #tpu.memory_space<hbm>>
        %dma_start3A_78 = arith.constant 0 : i32
        %dma_start3A_79 = tpu.memref_slice %arg5[%add3A_13, %dma_start3A_78] : memref<131072x128xf32, #tpu.memory_space<hbm>> -> memref<256x128xf32, #tpu.memory_space<hbm>>
        tpu.enqueue_dma source(%arg8 : memref<256x128xf32, #tpu.memory_space<vmem>>) target(%dma_start3A_79 : memref<256x128xf32, #tpu.memory_space<hbm>>) target_semaphore(%run_scoped3A : memref<!tpu.dma_semaphore, #tpu.memory_space<semaphore_mem>>)
        %dma_wait3A_80 = arith.constant 0 : i32
        %dma_wait3A_81 = tpu.memref_slice %arg5[%add3A_13, %dma_wait3A_80] : memref<131072x128xf32, #tpu.memory_space<hbm>> -> memref<256x128xf32, #tpu.memory_space<hbm>>
        %dma_wait3A_82 = arith.constant 0 : i32
        %dma_wait3A_83 = tpu.memref_slice %arg5[%add3A_13, %dma_wait3A_82] : memref<131072x128xf32, #tpu.memory_space<hbm>> -> memref<256x128xf32, #tpu.memory_space<hbm>>
        tpu.wait_dma2 semaphore(%run_scoped3A : memref<!tpu.dma_semaphore, #tpu.memory_space<semaphore_mem>>) src(%arg8 : memref<256x128xf32, #tpu.memory_space<vmem>>) dst(%dma_wait3A_83 : memref<256x128xf32, #tpu.memory_space<hbm>>)
        tpu.yield
      }) : () -> ()
      "tpu.region"() ({
        %run_scoped3A = tpu.sem_alloc : memref<!tpu.dma_semaphore, #tpu.memory_space<semaphore_mem>>
        %dma_start3A_76 = arith.constant 0 : i32
        %dma_start3A_77 = tpu.memref_slice %arg6[%add3A_13, %dma_start3A_76] : memref<131072x128xf32, #tpu.memory_space<hbm>> -> memref<256x128xf32, #tpu.memory_space<hbm>>
        %dma_start3A_78 = arith.constant 0 : i32
        %dma_start3A_79 = tpu.memref_slice %arg6[%add3A_13, %dma_start3A_78] : memref<131072x128xf32, #tpu.memory_space<hbm>> -> memref<256x128xf32, #tpu.memory_space<hbm>>
        tpu.enqueue_dma source(%arg9 : memref<256x128xf32, #tpu.memory_space<vmem>>) target(%dma_start3A_79 : memref<256x128xf32, #tpu.memory_space<hbm>>) target_semaphore(%run_scoped3A : memref<!tpu.dma_semaphore, #tpu.memory_space<semaphore_mem>>)
        %dma_wait3A_80 = arith.constant 0 : i32
        %dma_wait3A_81 = tpu.memref_slice %arg6[%add3A_13, %dma_wait3A_80] : memref<131072x128xf32, #tpu.memory_space<hbm>> -> memref<256x128xf32, #tpu.memory_space<hbm>>
        %dma_wait3A_82 = arith.constant 0 : i32
        %dma_wait3A_83 = tpu.memref_slice %arg6[%add3A_13, %dma_wait3A_82] : memref<131072x128xf32, #tpu.memory_space<hbm>> -> memref<256x128xf32, #tpu.memory_space<hbm>>
        tpu.wait_dma2 semaphore(%run_scoped3A : memref<!tpu.dma_semaphore, #tpu.memory_space<semaphore_mem>>) src(%arg9 : memref<256x128xf32, #tpu.memory_space<vmem>>) dst(%dma_wait3A_83 : memref<256x128xf32, #tpu.memory_space<hbm>>)
        tpu.yield
      }) : () -> ()
    }
    %scan3A_7 = arith.constant 16 : i32
    return
  }
}

#map = affine_map<(d0, d1) -> (0)>
#map1 = affine_map<(d0, d1) -> (0, 0)>
module attributes {stable_mosaic.version = 14 : i64} {
  func.func @k(%arg0: i32, %arg1: i32, %arg2: memref<4096xi32, #tpu.memory_space<hbm>>, %arg3: memref<32768x128xf32, #tpu.memory_space<hbm>>, %arg4: memref<4096x128xf32, #tpu.memory_space<hbm>>, %arg5: memref<128xi32, #tpu.memory_space<vmem>>, %arg6: memref<128x128xf32, #tpu.memory_space<vmem>>, %arg7: memref<!tpu.dma_semaphore, #tpu.memory_space<semaphore_mem>>) attributes {dimension_semantics = [#tpu.dimension_semantics<core_parallel>, #tpu.dimension_semantics<subcore_parallel>], iteration_bounds = array<i64: 2, 16>, scalar_prefetch = 0 : i64, scratch_operands = 3 : i64, tpu.core_type = #tpu.core_type<sc_vector_subcore>, window_params = [{transform_indices = #map}, {transform_indices = #map1}, {transform_indices = #map1}]} {
    %mul3A = arith.constant 2 : i32
    %mul3A_0 = arith.muli %arg1, %mul3A : i32
    %add3A = arith.addi %mul3A_0, %arg0 : i32
    %mul3A_1 = arith.constant 128 : i32
    %mul3A_2 = arith.muli %add3A, %mul3A_1 : i32
    %scan3A = arith.constant 0 : i32
    %scan3A_3 = arith.constant 0 : i32
    %mul3A_4 = arith.constant 1 : i32
    %mul3A_5 = arith.muli %scan3A_3, %mul3A_4 : i32
    %mul3A_6 = arith.constant 128 : i32
    %mul3A_7 = arith.muli %mul3A_5, %mul3A_6 : i32
    %add3A_8 = arith.addi %mul3A_2, %mul3A_7 : i32
    "tpu.region"() ({
      %run_scoped3A = tpu.sem_alloc : memref<!tpu.dma_semaphore, #tpu.memory_space<semaphore_mem>>
      %dma_start3A_24 = tpu.memref_slice %arg2[%add3A_8] : memref<4096xi32, #tpu.memory_space<hbm>> -> memref<128xi32, #tpu.memory_space<hbm>>
      %dma_start3A_25 = tpu.memref_slice %arg2[%add3A_8] : memref<4096xi32, #tpu.memory_space<hbm>> -> memref<128xi32, #tpu.memory_space<hbm>>
      tpu.enqueue_dma source(%dma_start3A_25 : memref<128xi32, #tpu.memory_space<hbm>>) target(%arg5 : memref<128xi32, #tpu.memory_space<vmem>>) target_semaphore(%run_scoped3A : memref<!tpu.dma_semaphore, #tpu.memory_space<semaphore_mem>>)
      %dma_wait3A_26 = tpu.memref_slice %arg2[%add3A_8] : memref<4096xi32, #tpu.memory_space<hbm>> -> memref<128xi32, #tpu.memory_space<hbm>>
      %dma_wait3A_27 = tpu.memref_slice %arg2[%add3A_8] : memref<4096xi32, #tpu.memory_space<hbm>> -> memref<128xi32, #tpu.memory_space<hbm>>
      tpu.wait_dma2 semaphore(%run_scoped3A : memref<!tpu.dma_semaphore, #tpu.memory_space<semaphore_mem>>) src(%dma_wait3A_27 : memref<128xi32, #tpu.memory_space<hbm>>) dst(%arg5 : memref<128xi32, #tpu.memory_space<vmem>>)
      tpu.yield
    }) : () -> ()
    %dma_start3A = arith.constant 0 : i32
    %dma_start3A_9 = arith.constant 0 : i32
    %dma_start3A_10 = tpu.memref_slice %arg6[%dma_start3A, %dma_start3A_9] : memref<128x128xf32, #tpu.memory_space<vmem>> -> memref<128x128xf32, #tpu.memory_space<vmem>>
    %dma_start3A_11 = arith.constant 0 : i32
    %dma_start3A_12 = tpu.memref_slice %arg5[%dma_start3A_11] : memref<128xi32, #tpu.memory_space<vmem>> -> memref<128xi32, #tpu.memory_space<vmem>>
    %dma_start3A_13 = arith.constant 0 : i32
    %dma_start3A_14 = arith.constant 0 : i32
    %dma_start3A_15 = tpu.memref_slice %arg3[%dma_start3A_13, %dma_start3A_14] : memref<32768x128xf32, #tpu.memory_space<hbm>> -> memref<32768x128xf32, #tpu.memory_space<hbm>>
    tpu.enqueue_indirect_dma source(%dma_start3A_15 : memref<32768x128xf32, #tpu.memory_space<hbm>>) target(%dma_start3A_10 : memref<128x128xf32, #tpu.memory_space<vmem>>) offsets(%dma_start3A_12 : memref<128xi32, #tpu.memory_space<vmem>>) semaphore(%arg7 : memref<!tpu.dma_semaphore, #tpu.memory_space<semaphore_mem>>)
    %dma_wait3A = arith.constant 0 : i32
    %dma_wait3A_16 = arith.constant 0 : i32
    %dma_wait3A_17 = tpu.memref_slice %arg6[%dma_wait3A, %dma_wait3A_16] : memref<128x128xf32, #tpu.memory_space<vmem>> -> memref<128x128xf32, #tpu.memory_space<vmem>>
    %dma_wait3A_18 = arith.constant 0 : i32
    %dma_wait3A_19 = tpu.memref_slice %arg5[%dma_wait3A_18] : memref<128xi32, #tpu.memory_space<vmem>> -> memref<128xi32, #tpu.memory_space<vmem>>
    %dma_wait3A_20 = arith.constant 0 : i32
    %dma_wait3A_21 = arith.constant 0 : i32
    %dma_wait3A_22 = tpu.memref_slice %arg3[%dma_wait3A_20, %dma_wait3A_21] : memref<32768x128xf32, #tpu.memory_space<hbm>> -> memref<32768x128xf32, #tpu.memory_space<hbm>>
    tpu.wait_indirect_dma semaphore(%arg7 : memref<!tpu.dma_semaphore, #tpu.memory_space<semaphore_mem>>) src(%dma_wait3A_22 : memref<32768x128xf32, #tpu.memory_space<hbm>>) dst(%dma_wait3A_17 : memref<128x128xf32, #tpu.memory_space<vmem>>)
    "tpu.region"() ({
      %run_scoped3A = tpu.sem_alloc : memref<!tpu.dma_semaphore, #tpu.memory_space<semaphore_mem>>
      %dma_start3A_24 = arith.constant 0 : i32
      %dma_start3A_25 = tpu.memref_slice %arg4[%add3A_8, %dma_start3A_24] : memref<4096x128xf32, #tpu.memory_space<hbm>> -> memref<128x128xf32, #tpu.memory_space<hbm>>
      %dma_start3A_26 = arith.constant 0 : i32
      %dma_start3A_27 = tpu.memref_slice %arg4[%add3A_8, %dma_start3A_26] : memref<4096x128xf32, #tpu.memory_space<hbm>> -> memref<128x128xf32, #tpu.memory_space<hbm>>
      tpu.enqueue_dma source(%arg6 : memref<128x128xf32, #tpu.memory_space<vmem>>) target(%dma_start3A_27 : memref<128x128xf32, #tpu.memory_space<hbm>>) target_semaphore(%run_scoped3A : memref<!tpu.dma_semaphore, #tpu.memory_space<semaphore_mem>>)
      %dma_wait3A_28 = arith.constant 0 : i32
      %dma_wait3A_29 = tpu.memref_slice %arg4[%add3A_8, %dma_wait3A_28] : memref<4096x128xf32, #tpu.memory_space<hbm>> -> memref<128x128xf32, #tpu.memory_space<hbm>>
      %dma_wait3A_30 = arith.constant 0 : i32
      %dma_wait3A_31 = tpu.memref_slice %arg4[%add3A_8, %dma_wait3A_30] : memref<4096x128xf32, #tpu.memory_space<hbm>> -> memref<128x128xf32, #tpu.memory_space<hbm>>
      tpu.wait_dma2 semaphore(%run_scoped3A : memref<!tpu.dma_semaphore, #tpu.memory_space<semaphore_mem>>) src(%arg6 : memref<128x128xf32, #tpu.memory_space<vmem>>) dst(%dma_wait3A_31 : memref<128x128xf32, #tpu.memory_space<hbm>>)
      tpu.yield
    }) : () -> ()
    %scan3A_23 = arith.constant 1 : i32
    return
  }
}

module attributes {stable_mosaic.version = 14 : i64} {
  func.func @_fps_body(%arg0: memref<24x4096xf32, #tpu.memory_space<vmem>>, %arg1: memref<8x512xi32, #tpu.memory_space<vmem>>, %arg2: memref<24x512xf32, #tpu.memory_space<vmem>>, %arg3: memref<8x4096xf32, #tpu.memory_space<vmem>>, %arg4: memref<8x512xf32, #tpu.memory_space<vmem>>) attributes {dimension_semantics = [], scalar_prefetch = 0 : i64, scratch_operands = 2 : i64, tpu.core_type = #tpu.core_type<tc>} {
    %get3A = arith.constant 0 : index
    %get3A_0 = arith.constant 0 : index
    %get3A_1 = vector.load %arg0[%get3A, %get3A_0] : memref<24x4096xf32, #tpu.memory_space<vmem>>, vector<8x4096xf32>
    %get3A_2 = arith.constant 8 : index
    %get3A_3 = arith.constant 0 : index
    %get3A_4 = vector.load %arg0[%get3A_2, %get3A_3] : memref<24x4096xf32, #tpu.memory_space<vmem>>, vector<8x4096xf32>
    %get3A_5 = arith.constant 16 : index
    %get3A_6 = arith.constant 0 : index
    %get3A_7 = vector.load %arg0[%get3A_5, %get3A_6] : memref<24x4096xf32, #tpu.memory_space<vmem>>, vector<8x4096xf32>
    %iota3A = tpu.iota {dimensions = array<i32: 1>} : vector<8x4096xi32>
    %convert_element_type3A = arith.sitofp %iota3A : vector<8x4096xi32> to vector<8x4096xf32>
    %swap3A = arith.constant 0 : index
    %swap3A_8 = arith.constant 0 : index
    %swap3A_9 = vector.load %arg3[%swap3A, %swap3A_8] : memref<8x4096xf32, #tpu.memory_space<vmem>>, vector<8x4096xf32>
    tpu.vector_store %arg3[%swap3A, %swap3A_8], %convert_element_type3A {strides = array<i32>} : memref<8x4096xf32, #tpu.memory_space<vmem>>, vector<8x4096xf32>,
    %iota3A_10 = tpu.iota {dimensions = array<i32: 1>} : vector<8x512xi32>
    %convert_element_type3A_11 = arith.sitofp %iota3A_10 : vector<8x512xi32> to vector<8x512xf32>
    %swap3A_12 = arith.constant 0 : index
    %swap3A_13 = arith.constant 0 : index
    %swap3A_14 = vector.load %arg4[%swap3A_12, %swap3A_13] : memref<8x512xf32, #tpu.memory_space<vmem>>, vector<8x512xf32>
    tpu.vector_store %arg4[%swap3A_12, %swap3A_13], %convert_element_type3A_11 {strides = array<i32>} : memref<8x512xf32, #tpu.memory_space<vmem>>, vector<8x512xf32>,
    %get3A_15 = arith.constant 0 : index
    %get3A_16 = arith.constant 0 : index
    %get3A_17 = vector.load %arg3[%get3A_15, %get3A_16] : memref<8x4096xf32, #tpu.memory_space<vmem>>, vector<8x4096xf32>
    %get3A_18 = arith.constant 0 : index
    %get3A_19 = arith.constant 0 : index
    %get3A_20 = vector.load %arg4[%get3A_18, %get3A_19] : memref<8x512xf32, #tpu.memory_space<vmem>>, vector<8x512xf32>
    %broadcast_in_dim3A = arith.constant 1.000000e+10 : f32
    %broadcast_in_dim3A_21 = vector.broadcast %broadcast_in_dim3A : f32 to vector<8x4096xf32>
    %broadcast_in_dim3A_22 = arith.constant 0.000000e+00 : f32
    %broadcast_in_dim3A_23 = vector.broadcast %broadcast_in_dim3A_22 : f32 to vector<8x1xf32>
    %slice3A = vector.extract_strided_slice %get3A_1 {offsets = [0, 0], sizes = [8, 1], strides = [1, 1]} : vector<8x4096xf32> to vector<8x1xf32>
    %slice3A_24 = vector.extract_strided_slice %get3A_4 {offsets = [0, 0], sizes = [8, 1], strides = [1, 1]} : vector<8x4096xf32> to vector<8x1xf32>
    %slice3A_25 = vector.extract_strided_slice %get3A_7 {offsets = [0, 0], sizes = [8, 1], strides = [1, 1]} : vector<8x4096xf32> to vector<8x1xf32>
    %broadcast_in_dim3A_26 = arith.constant 0.000000e+00 : f32
    %broadcast_in_dim3A_27 = vector.broadcast %broadcast_in_dim3A_26 : f32 to vector<8x512xf32>
    %scan3A = arith.constant 4.096000e+03 : f32
    %scan3A_28 = arith.constant 0 : i32
    %scan3A_29 = arith.constant 512 : i32
    %scan3A_30 = arith.addi %scan3A_28, %scan3A_29 : i32
    %scan3A_31 = arith.constant 1 : i32
    %scan3A_32:9 = scf.for %scan3A_47 = %scan3A_28 to %scan3A_30 step %scan3A_31 iter_args(%scan3A_48 = %broadcast_in_dim3A_21, %scan3A_49 = %broadcast_in_dim3A_23, %scan3A_50 = %slice3A, %scan3A_51 = %slice3A_24, %scan3A_52 = %slice3A_25, %scan3A_53 = %broadcast_in_dim3A_27, %scan3A_54 = %broadcast_in_dim3A_27, %scan3A_55 = %broadcast_in_dim3A_27, %scan3A_56 = %broadcast_in_dim3A_27) -> (vector<8x4096xf32>, vector<8x1xf32>, vector<8x1xf32>, vector<8x1xf32>, vector<8x1xf32>, vector<8x512xf32>, vector<8x512xf32>, vector<8x512xf32>, vector<8x512xf32>)  : i32 {
      %convert_element_type3A_57 = arith.sitofp %scan3A_47 : i32 to f32
      %eq3A = vector.broadcast %convert_element_type3A_57 : f32 to vector<8x512xf32>
      %eq3A_58 = arith.cmpf oeq, %get3A_20, %eq3A : vector<8x512xf32>
      %convert_element_type3A_59 = arith.extui %eq3A_58 : vector<8x512xi1> to vector<8x512xi32>
      %convert_element_type3A_60 = arith.sitofp %convert_element_type3A_59 : vector<8x512xi32> to vector<8x512xf32>
      %broadcast_in_dim3A_61 = vector.shape_cast %scan3A_49 : vector<8x1xf32> to vector<8x1xf32>
      %broadcast_in_dim3A_62 = vector.broadcast %broadcast_in_dim3A_61 : vector<8x1xf32> to vector<8x512xf32>
      %mul3A = arith.mulf %convert_element_type3A_60, %broadcast_in_dim3A_62 : vector<8x512xf32>
      %add3A = arith.addf %scan3A_53, %mul3A : vector<8x512xf32>
      %broadcast_in_dim3A_63 = vector.shape_cast %scan3A_50 : vector<8x1xf32> to vector<8x1xf32>
      %broadcast_in_dim3A_64 = vector.broadcast %broadcast_in_dim3A_63 : vector<8x1xf32> to vector<8x512xf32>
      %mul3A_65 = arith.mulf %convert_element_type3A_60, %broadcast_in_dim3A_64 : vector<8x512xf32>
      %add3A_66 = arith.addf %scan3A_54, %mul3A_65 : vector<8x512xf32>
      %broadcast_in_dim3A_67 = vector.shape_cast %scan3A_51 : vector<8x1xf32> to vector<8x1xf32>
      %broadcast_in_dim3A_68 = vector.broadcast %broadcast_in_dim3A_67 : vector<8x1xf32> to vector<8x512xf32>
      %mul3A_69 = arith.mulf %convert_element_type3A_60, %broadcast_in_dim3A_68 : vector<8x512xf32>
      %add3A_70 = arith.addf %scan3A_55, %mul3A_69 : vector<8x512xf32>
      %broadcast_in_dim3A_71 = vector.shape_cast %scan3A_52 : vector<8x1xf32> to vector<8x1xf32>
      %broadcast_in_dim3A_72 = vector.broadcast %broadcast_in_dim3A_71 : vector<8x1xf32> to vector<8x512xf32>
      %mul3A_73 = arith.mulf %convert_element_type3A_60, %broadcast_in_dim3A_72 : vector<8x512xf32>
      %add3A_74 = arith.addf %scan3A_56, %mul3A_73 : vector<8x512xf32>
      %broadcast_in_dim3A_75 = vector.shape_cast %scan3A_50 : vector<8x1xf32> to vector<8x1xf32>
      %broadcast_in_dim3A_76 = vector.broadcast %broadcast_in_dim3A_75 : vector<8x1xf32> to vector<8x4096xf32>
      %sub3A = arith.subf %get3A_1, %broadcast_in_dim3A_76 : vector<8x4096xf32>
      %broadcast_in_dim3A_77 = vector.shape_cast %scan3A_51 : vector<8x1xf32> to vector<8x1xf32>
      %broadcast_in_dim3A_78 = vector.broadcast %broadcast_in_dim3A_77 : vector<8x1xf32> to vector<8x4096xf32>
      %sub3A_79 = arith.subf %get3A_4, %broadcast_in_dim3A_78 : vector<8x4096xf32>
      %broadcast_in_dim3A_80 = vector.shape_cast %scan3A_52 : vector<8x1xf32> to vector<8x1xf32>
      %broadcast_in_dim3A_81 = vector.broadcast %broadcast_in_dim3A_80 : vector<8x1xf32> to vector<8x4096xf32>
      %sub3A_82 = arith.subf %get3A_7, %broadcast_in_dim3A_81 : vector<8x4096xf32>
      %mul3A_83 = arith.mulf %sub3A, %sub3A : vector<8x4096xf32>
      %mul3A_84 = arith.mulf %sub3A_79, %sub3A_79 : vector<8x4096xf32>
      %add3A_85 = arith.addf %mul3A_83, %mul3A_84 : vector<8x4096xf32>
      %mul3A_86 = arith.mulf %sub3A_82, %sub3A_82 : vector<8x4096xf32>
      %add3A_87 = arith.addf %add3A_85, %mul3A_86 : vector<8x4096xf32>
      %min3A = arith.minimumf %scan3A_48, %add3A_87 : vector<8x4096xf32>
      %slice3A_88 = vector.extract_strided_slice %min3A {offsets = [0, 0], sizes = [8, 2048], strides = [1, 1]} : vector<8x4096xf32> to vector<8x2048xf32>
      %slice3A_89 = vector.extract_strided_slice %min3A {offsets = [0, 2048], sizes = [8, 2048], strides = [1, 1]} : vector<8x4096xf32> to vector<8x2048xf32>
      %slice3A_90 = vector.extract_strided_slice %get3A_17 {offsets = [0, 0], sizes = [8, 2048], strides = [1, 1]} : vector<8x4096xf32> to vector<8x2048xf32>
      %slice3A_91 = vector.extract_strided_slice %get3A_17 {offsets = [0, 2048], sizes = [8, 2048], strides = [1, 1]} : vector<8x4096xf32> to vector<8x2048xf32>
      %gt3A = arith.cmpf ogt, %slice3A_89, %slice3A_88 : vector<8x2048xf32>
      %eq3A_92 = arith.cmpf oeq, %slice3A_89, %slice3A_88 : vector<8x2048xf32>
      %lt3A = arith.cmpf olt, %slice3A_91, %slice3A_90 : vector<8x2048xf32>
      %and3A = arith.andi %eq3A_92, %lt3A : vector<8x2048xi1>
      %or3A = arith.ori %gt3A, %and3A : vector<8x2048xi1>
      %select_n3A = arith.select %or3A, %slice3A_89, %slice3A_88 : vector<8x2048xi1>, vector<8x2048xf32>
      %select_n3A_93 = arith.select %or3A, %slice3A_91, %slice3A_90 : vector<8x2048xi1>, vector<8x2048xf32>
      %slice3A_94 = vector.extract_strided_slice %get3A_1 {offsets = [0, 2048], sizes = [8, 2048], strides = [1, 1]} : vector<8x4096xf32> to vector<8x2048xf32>
      %slice3A_95 = vector.extract_strided_slice %get3A_1 {offsets = [0, 0], sizes = [8, 2048], strides = [1, 1]} : vector<8x4096xf32> to vector<8x2048xf32>
      %select_n3A_96 = arith.select %or3A, %slice3A_94, %slice3A_95 : vector<8x2048xi1>, vector<8x2048xf32>
      %slice3A_97 = vector.extract_strided_slice %get3A_4 {offsets = [0, 2048], sizes = [8, 2048], strides = [1, 1]} : vector<8x4096xf32> to vector<8x2048xf32>
      %slice3A_98 = vector.extract_strided_slice %get3A_4 {offsets = [0, 0], sizes = [8, 2048], strides = [1, 1]} : vector<8x4096xf32> to vector<8x2048xf32>
      %select_n3A_99 = arith.select %or3A, %slice3A_97, %slice3A_98 : vector<8x2048xi1>, vector<8x2048xf32>
      %slice3A_100 = vector.extract_strided_slice %get3A_7 {offsets = [0, 2048], sizes = [8, 2048], strides = [1, 1]} : vector<8x4096xf32> to vector<8x2048xf32>
      %slice3A_101 = vector.extract_strided_slice %get3A_7 {offsets = [0, 0], sizes = [8, 2048], strides = [1, 1]} : vector<8x4096xf32> to vector<8x2048xf32>
      %select_n3A_102 = arith.select %or3A, %slice3A_100, %slice3A_101 : vector<8x2048xi1>, vector<8x2048xf32>
      %slice3A_103 = vector.extract_strided_slice %select_n3A {offsets = [0, 0], sizes = [8, 1024], strides = [1, 1]} : vector<8x2048xf32> to vector<8x1024xf32>
      %slice3A_104 = vector.extract_strided_slice %select_n3A {offsets = [0, 1024], sizes = [8, 1024], strides = [1, 1]} : vector<8x2048xf32> to vector<8x1024xf32>
      %slice3A_105 = vector.extract_strided_slice %select_n3A_93 {offsets = [0, 0], sizes = [8, 1024], strides = [1, 1]} : vector<8x2048xf32> to vector<8x1024xf32>
      %slice3A_106 = vector.extract_strided_slice %select_n3A_93 {offsets = [0, 1024], sizes = [8, 1024], strides = [1, 1]} : vector<8x2048xf32> to vector<8x1024xf32>
      %gt3A_107 = arith.cmpf ogt, %slice3A_104, %slice3A_103 : vector<8x1024xf32>
      %eq3A_108 = arith.cmpf oeq, %slice3A_104, %slice3A_103 : vector<8x1024xf32>
      %lt3A_109 = arith.cmpf olt, %slice3A_106, %slice3A_105 : vector<8x1024xf32>
      %and3A_110 = arith.andi %eq3A_108, %lt3A_109 : vector<8x1024xi1>
      %or3A_111 = arith.ori %gt3A_107, %and3A_110 : vector<8x1024xi1>
      %select_n3A_112 = arith.select %or3A_111, %slice3A_104, %slice3A_103 : vector<8x1024xi1>, vector<8x1024xf32>
      %select_n3A_113 = arith.select %or3A_111, %slice3A_106, %slice3A_105 : vector<8x1024xi1>, vector<8x1024xf32>
      %slice3A_114 = vector.extract_strided_slice %select_n3A_96 {offsets = [0, 1024], sizes = [8, 1024], strides = [1, 1]} : vector<8x2048xf32> to vector<8x1024xf32>
      %slice3A_115 = vector.extract_strided_slice %select_n3A_96 {offsets = [0, 0], sizes = [8, 1024], strides = [1, 1]} : vector<8x2048xf32> to vector<8x1024xf32>
      %select_n3A_116 = arith.select %or3A_111, %slice3A_114, %slice3A_115 : vector<8x1024xi1>, vector<8x1024xf32>
      %slice3A_117 = vector.extract_strided_slice %select_n3A_99 {offsets = [0, 1024], sizes = [8, 1024], strides = [1, 1]} : vector<8x2048xf32> to vector<8x1024xf32>
      %slice3A_118 = vector.extract_strided_slice %select_n3A_99 {offsets = [0, 0], sizes = [8, 1024], strides = [1, 1]} : vector<8x2048xf32> to vector<8x1024xf32>
      %select_n3A_119 = arith.select %or3A_111, %slice3A_117, %slice3A_118 : vector<8x1024xi1>, vector<8x1024xf32>
      %slice3A_120 = vector.extract_strided_slice %select_n3A_102 {offsets = [0, 1024], sizes = [8, 1024], strides = [1, 1]} : vector<8x2048xf32> to vector<8x1024xf32>
      %slice3A_121 = vector.extract_strided_slice %select_n3A_102 {offsets = [0, 0], sizes = [8, 1024], strides = [1, 1]} : vector<8x2048xf32> to vector<8x1024xf32>
      %select_n3A_122 = arith.select %or3A_111, %slice3A_120, %slice3A_121 : vector<8x1024xi1>, vector<8x1024xf32>
      %slice3A_123 = vector.extract_strided_slice %select_n3A_112 {offsets = [0, 0], sizes = [8, 512], strides = [1, 1]} : vector<8x1024xf32> to vector<8x512xf32>
      %slice3A_124 = vector.extract_strided_slice %select_n3A_112 {offsets = [0, 512], sizes = [8, 512], strides = [1, 1]} : vector<8x1024xf32> to vector<8x512xf32>
      %slice3A_125 = vector.extract_strided_slice %select_n3A_113 {offsets = [0, 0], sizes = [8, 512], strides = [1, 1]} : vector<8x1024xf32> to vector<8x512xf32>
      %slice3A_126 = vector.extract_strided_slice %select_n3A_113 {offsets = [0, 512], sizes = [8, 512], strides = [1, 1]} : vector<8x1024xf32> to vector<8x512xf32>
      %gt3A_127 = arith.cmpf ogt, %slice3A_124, %slice3A_123 : vector<8x512xf32>
      %eq3A_128 = arith.cmpf oeq, %slice3A_124, %slice3A_123 : vector<8x512xf32>
      %lt3A_129 = arith.cmpf olt, %slice3A_126, %slice3A_125 : vector<8x512xf32>
      %and3A_130 = arith.andi %eq3A_128, %lt3A_129 : vector<8x512xi1>
      %or3A_131 = arith.ori %gt3A_127, %and3A_130 : vector<8x512xi1>
      %select_n3A_132 = arith.select %or3A_131, %slice3A_124, %slice3A_123 : vector<8x512xi1>, vector<8x512xf32>
      %select_n3A_133 = arith.select %or3A_131, %slice3A_126, %slice3A_125 : vector<8x512xi1>, vector<8x512xf32>
      %slice3A_134 = vector.extract_strided_slice %select_n3A_116 {offsets = [0, 512], sizes = [8, 512], strides = [1, 1]} : vector<8x1024xf32> to vector<8x512xf32>
      %slice3A_135 = vector.extract_strided_slice %select_n3A_116 {offsets = [0, 0], sizes = [8, 512], strides = [1, 1]} : vector<8x1024xf32> to vector<8x512xf32>
      %select_n3A_136 = arith.select %or3A_131, %slice3A_134, %slice3A_135 : vector<8x512xi1>, vector<8x512xf32>
      %slice3A_137 = vector.extract_strided_slice %select_n3A_119 {offsets = [0, 512], sizes = [8, 512], strides = [1, 1]} : vector<8x1024xf32> to vector<8x512xf32>
      %slice3A_138 = vector.extract_strided_slice %select_n3A_119 {offsets = [0, 0], sizes = [8, 512], strides = [1, 1]} : vector<8x1024xf32> to vector<8x512xf32>
      %select_n3A_139 = arith.select %or3A_131, %slice3A_137, %slice3A_138 : vector<8x512xi1>, vector<8x512xf32>
      %slice3A_140 = vector.extract_strided_slice %select_n3A_122 {offsets = [0, 512], sizes = [8, 512], strides = [1, 1]} : vector<8x1024xf32> to vector<8x512xf32>
      %slice3A_141 = vector.extract_strided_slice %select_n3A_122 {offsets = [0, 0], sizes = [8, 512], strides = [1, 1]} : vector<8x1024xf32> to vector<8x512xf32>
      %select_n3A_142 = arith.select %or3A_131, %slice3A_140, %slice3A_141 : vector<8x512xi1>, vector<8x512xf32>
      %slice3A_143 = vector.extract_strided_slice %select_n3A_132 {offsets = [0, 0], sizes = [8, 256], strides = [1, 1]} : vector<8x512xf32> to vector<8x256xf32>
      %slice3A_144 = vector.extract_strided_slice %select_n3A_132 {offsets = [0, 256], sizes = [8, 256], strides = [1, 1]} : vector<8x512xf32> to vector<8x256xf32>
      %slice3A_145 = vector.extract_strided_slice %select_n3A_133 {offsets = [0, 0], sizes = [8, 256], strides = [1, 1]} : vector<8x512xf32> to vector<8x256xf32>
      %slice3A_146 = vector.extract_strided_slice %select_n3A_133 {offsets = [0, 256], sizes = [8, 256], strides = [1, 1]} : vector<8x512xf32> to vector<8x256xf32>
      %gt3A_147 = arith.cmpf ogt, %slice3A_144, %slice3A_143 : vector<8x256xf32>
      %eq3A_148 = arith.cmpf oeq, %slice3A_144, %slice3A_143 : vector<8x256xf32>
      %lt3A_149 = arith.cmpf olt, %slice3A_146, %slice3A_145 : vector<8x256xf32>
      %and3A_150 = arith.andi %eq3A_148, %lt3A_149 : vector<8x256xi1>
      %or3A_151 = arith.ori %gt3A_147, %and3A_150 : vector<8x256xi1>
      %select_n3A_152 = arith.select %or3A_151, %slice3A_144, %slice3A_143 : vector<8x256xi1>, vector<8x256xf32>
      %select_n3A_153 = arith.select %or3A_151, %slice3A_146, %slice3A_145 : vector<8x256xi1>, vector<8x256xf32>
      %slice3A_154 = vector.extract_strided_slice %select_n3A_136 {offsets = [0, 256], sizes = [8, 256], strides = [1, 1]} : vector<8x512xf32> to vector<8x256xf32>
      %slice3A_155 = vector.extract_strided_slice %select_n3A_136 {offsets = [0, 0], sizes = [8, 256], strides = [1, 1]} : vector<8x512xf32> to vector<8x256xf32>
      %select_n3A_156 = arith.select %or3A_151, %slice3A_154, %slice3A_155 : vector<8x256xi1>, vector<8x256xf32>
      %slice3A_157 = vector.extract_strided_slice %select_n3A_139 {offsets = [0, 256], sizes = [8, 256], strides = [1, 1]} : vector<8x512xf32> to vector<8x256xf32>
      %slice3A_158 = vector.extract_strided_slice %select_n3A_139 {offsets = [0, 0], sizes = [8, 256], strides = [1, 1]} : vector<8x512xf32> to vector<8x256xf32>
      %select_n3A_159 = arith.select %or3A_151, %slice3A_157, %slice3A_158 : vector<8x256xi1>, vector<8x256xf32>
      %slice3A_160 = vector.extract_strided_slice %select_n3A_142 {offsets = [0, 256], sizes = [8, 256], strides = [1, 1]} : vector<8x512xf32> to vector<8x256xf32>
      %slice3A_161 = vector.extract_strided_slice %select_n3A_142 {offsets = [0, 0], sizes = [8, 256], strides = [1, 1]} : vector<8x512xf32> to vector<8x256xf32>
      %select_n3A_162 = arith.select %or3A_151, %slice3A_160, %slice3A_161 : vector<8x256xi1>, vector<8x256xf32>
      %slice3A_163 = vector.extract_strided_slice %select_n3A_152 {offsets = [0, 0], sizes = [8, 128], strides = [1, 1]} : vector<8x256xf32> to vector<8x128xf32>
      %slice3A_164 = vector.extract_strided_slice %select_n3A_152 {offsets = [0, 128], sizes = [8, 128], strides = [1, 1]} : vector<8x256xf32> to vector<8x128xf32>
      %slice3A_165 = vector.extract_strided_slice %select_n3A_153 {offsets = [0, 0], sizes = [8, 128], strides = [1, 1]} : vector<8x256xf32> to vector<8x128xf32>
      %slice3A_166 = vector.extract_strided_slice %select_n3A_153 {offsets = [0, 128], sizes = [8, 128], strides = [1, 1]} : vector<8x256xf32> to vector<8x128xf32>
      %gt3A_167 = arith.cmpf ogt, %slice3A_164, %slice3A_163 : vector<8x128xf32>
      %eq3A_168 = arith.cmpf oeq, %slice3A_164, %slice3A_163 : vector<8x128xf32>
      %lt3A_169 = arith.cmpf olt, %slice3A_166, %slice3A_165 : vector<8x128xf32>
      %and3A_170 = arith.andi %eq3A_168, %lt3A_169 : vector<8x128xi1>
      %or3A_171 = arith.ori %gt3A_167, %and3A_170 : vector<8x128xi1>
      %select_n3A_172 = arith.select %or3A_171, %slice3A_164, %slice3A_163 : vector<8x128xi1>, vector<8x128xf32>
      %select_n3A_173 = arith.select %or3A_171, %slice3A_166, %slice3A_165 : vector<8x128xi1>, vector<8x128xf32>
      %slice3A_174 = vector.extract_strided_slice %select_n3A_156 {offsets = [0, 128], sizes = [8, 128], strides = [1, 1]} : vector<8x256xf32> to vector<8x128xf32>
      %slice3A_175 = vector.extract_strided_slice %select_n3A_156 {offsets = [0, 0], sizes = [8, 128], strides = [1, 1]} : vector<8x256xf32> to vector<8x128xf32>
      %select_n3A_176 = arith.select %or3A_171, %slice3A_174, %slice3A_175 : vector<8x128xi1>, vector<8x128xf32>
      %slice3A_177 = vector.extract_strided_slice %select_n3A_159 {offsets = [0, 128], sizes = [8, 128], strides = [1, 1]} : vector<8x256xf32> to vector<8x128xf32>
      %slice3A_178 = vector.extract_strided_slice %select_n3A_159 {offsets = [0, 0], sizes = [8, 128], strides = [1, 1]} : vector<8x256xf32> to vector<8x128xf32>
      %select_n3A_179 = arith.select %or3A_171, %slice3A_177, %slice3A_178 : vector<8x128xi1>, vector<8x128xf32>
      %slice3A_180 = vector.extract_strided_slice %select_n3A_162 {offsets = [0, 128], sizes = [8, 128], strides = [1, 1]} : vector<8x256xf32> to vector<8x128xf32>
      %slice3A_181 = vector.extract_strided_slice %select_n3A_162 {offsets = [0, 0], sizes = [8, 128], strides = [1, 1]} : vector<8x256xf32> to vector<8x128xf32>
      %select_n3A_182 = arith.select %or3A_171, %slice3A_180, %slice3A_181 : vector<8x128xi1>, vector<8x128xf32>
      %reduce_max3A = arith.constant dense<0xFF800000> : vector<8xf32>
      %reduce_max3A_183 = vector.multi_reduction <maximumf>, %select_n3A_172, %reduce_max3A [1] : vector<8x128xf32> to vector<8xf32>
      %broadcast_in_dim3A_184 = vector.shape_cast %reduce_max3A_183 : vector<8xf32> to vector<8x1xf32>
      %broadcast_in_dim3A_185 = vector.shape_cast %broadcast_in_dim3A_184 : vector<8x1xf32> to vector<8x1xf32>
      %broadcast_in_dim3A_186 = vector.broadcast %broadcast_in_dim3A_185 : vector<8x1xf32> to vector<8x128xf32>
      %eq3A_187 = arith.cmpf oeq, %select_n3A_172, %broadcast_in_dim3A_186 : vector<8x128xf32>
      %broadcast_in_dim3A_188 = vector.broadcast %scan3A : f32 to vector<8x128xf32>
      %select_n3A_189 = arith.select %eq3A_187, %select_n3A_173, %broadcast_in_dim3A_188 : vector<8x128xi1>, vector<8x128xf32>
      %reduce_min3A = arith.constant dense<0x7F800000> : vector<8xf32>
      %reduce_min3A_190 = vector.multi_reduction <minimumf>, %select_n3A_189, %reduce_min3A [1] : vector<8x128xf32> to vector<8xf32>
      %broadcast_in_dim3A_191 = vector.shape_cast %reduce_min3A_190 : vector<8xf32> to vector<8x1xf32>
      %broadcast_in_dim3A_192 = vector.shape_cast %broadcast_in_dim3A_191 : vector<8x1xf32> to vector<8x1xf32>
      %broadcast_in_dim3A_193 = vector.broadcast %broadcast_in_dim3A_192 : vector<8x1xf32> to vector<8x128xf32>
      %eq3A_194 = arith.cmpf oeq, %select_n3A_173, %broadcast_in_dim3A_193 : vector<8x128xf32>
      %convert_element_type3A_195 = arith.extui %eq3A_194 : vector<8x128xi1> to vector<8x128xi32>
      %convert_element_type3A_196 = arith.sitofp %convert_element_type3A_195 : vector<8x128xi32> to vector<8x128xf32>
      %mul3A_197 = arith.mulf %convert_element_type3A_196, %select_n3A_176 : vector<8x128xf32>
      %reduce_sum3A = arith.constant dense<0.000000e+00> : vector<8xf32>
      %reduce_sum3A_198 = vector.multi_reduction <add>, %mul3A_197, %reduce_sum3A [1] : vector<8x128xf32> to vector<8xf32>
      %broadcast_in_dim3A_199 = vector.shape_cast %reduce_sum3A_198 : vector<8xf32> to vector<8x1xf32>
      %mul3A_200 = arith.mulf %convert_element_type3A_196, %select_n3A_179 : vector<8x128xf32>
      %reduce_sum3A_201 = arith.constant dense<0.000000e+00> : vector<8xf32>
      %reduce_sum3A_202 = vector.multi_reduction <add>, %mul3A_200, %reduce_sum3A_201 [1] : vector<8x128xf32> to vector<8xf32>
      %broadcast_in_dim3A_203 = vector.shape_cast %reduce_sum3A_202 : vector<8xf32> to vector<8x1xf32>
      %mul3A_204 = arith.mulf %convert_element_type3A_196, %select_n3A_182 : vector<8x128xf32>
      %reduce_sum3A_205 = arith.constant dense<0.000000e+00> : vector<8xf32>
      %reduce_sum3A_206 = vector.multi_reduction <add>, %mul3A_204, %reduce_sum3A_205 [1] : vector<8x128xf32> to vector<8xf32>
      %broadcast_in_dim3A_207 = vector.shape_cast %reduce_sum3A_206 : vector<8xf32> to vector<8x1xf32>
      scf.yield %min3A, %broadcast_in_dim3A_191, %broadcast_in_dim3A_199, %broadcast_in_dim3A_203, %broadcast_in_dim3A_207, %add3A, %add3A_66, %add3A_70, %add3A_74 : vector<8x4096xf32>, vector<8x1xf32>, vector<8x1xf32>, vector<8x1xf32>, vector<8x1xf32>, vector<8x512xf32>, vector<8x512xf32>, vector<8x512xf32>, vector<8x512xf32>
    }
    %scan3A_33 = arith.constant 512 : i32
    %convert_element_type3A_34 = arith.fptosi %scan3A_32#5 : vector<8x512xf32> to vector<8x512xi32>
    %swap3A_35 = arith.constant 0 : index
    %swap3A_36 = arith.constant 0 : index
    %swap3A_37 = vector.load %arg1[%swap3A_35, %swap3A_36] : memref<8x512xi32, #tpu.memory_space<vmem>>, vector<8x512xi32>
    tpu.vector_store %arg1[%swap3A_35, %swap3A_36], %convert_element_type3A_34 {strides = array<i32>} : memref<8x512xi32, #tpu.memory_space<vmem>>, vector<8x512xi32>,
    %swap3A_38 = arith.constant 0 : index
    %swap3A_39 = arith.constant 0 : index
    %swap3A_40 = vector.load %arg2[%swap3A_38, %swap3A_39] : memref<24x512xf32, #tpu.memory_space<vmem>>, vector<8x512xf32>
    tpu.vector_store %arg2[%swap3A_38, %swap3A_39], %scan3A_32#6 {strides = array<i32>} : memref<24x512xf32, #tpu.memory_space<vmem>>, vector<8x512xf32>,
    %swap3A_41 = arith.constant 8 : index
    %swap3A_42 = arith.constant 0 : index
    %swap3A_43 = vector.load %arg2[%swap3A_41, %swap3A_42] : memref<24x512xf32, #tpu.memory_space<vmem>>, vector<8x512xf32>
    tpu.vector_store %arg2[%swap3A_41, %swap3A_42], %scan3A_32#7 {strides = array<i32>} : memref<24x512xf32, #tpu.memory_space<vmem>>, vector<8x512xf32>,
    %swap3A_44 = arith.constant 16 : index
    %swap3A_45 = arith.constant 0 : index
    %swap3A_46 = vector.load %arg2[%swap3A_44, %swap3A_45] : memref<24x512xf32, #tpu.memory_space<vmem>>, vector<8x512xf32>
    tpu.vector_store %arg2[%swap3A_44, %swap3A_45], %scan3A_32#8 {strides = array<i32>} : memref<24x512xf32, #tpu.memory_space<vmem>>, vector<8x512xf32>,
    return
  }
}

module attributes {stable_mosaic.version = 14 : i64} {
  func.func @_knn_body(%arg0: i32, %arg1: i32, %arg2: memref<3x1x256x1xf32, #tpu.memory_space<vmem>>, %arg3: memref<3x1x1x4096xf32, #tpu.memory_space<vmem>>, %arg4: memref<1x256x32xi32, #tpu.memory_space<vmem>>, %arg5: memref<256x4096xf32, #tpu.memory_space<vmem>>, %arg6: memref<256x4096xf32, #tpu.memory_space<vmem>>, %arg7: memref<256x32xi32, #tpu.memory_space<vmem>>) attributes {dimension_semantics = [#tpu.dimension_semantics<arbitrary>, #tpu.dimension_semantics<arbitrary>], iteration_bounds = array<i64: 8, 2>, scalar_prefetch = 0 : i64, scratch_operands = 3 : i64, tpu.core_type = #tpu.core_type<tc>, window_params = [{transform_indices = @transform_0, window_bounds = array<i64: 3, 1, 256, 1>}, {transform_indices = @transform_1, window_bounds = array<i64: 3, 1, 1, 4096>}, {transform_indices = @transform_2, window_bounds = array<i64: 1, 256, 32>}]} {
    %get3A = arith.constant 0 : index
    %get3A_0 = arith.constant 0 : index
    %get3A_1 = arith.constant 0 : index
    %get3A_2 = arith.constant 0 : index
    %get3A_3 = vector.load %arg3[%get3A, %get3A_0, %get3A_1, %get3A_2] : memref<3x1x1x4096xf32, #tpu.memory_space<vmem>>, vector<1x1x1x4096xf32>
    %get3A_4 = vector.shape_cast %get3A_3 : vector<1x1x1x4096xf32> to vector<1x4096xf32>
    %get3A_5 = arith.constant 1 : index
    %get3A_6 = arith.constant 0 : index
    %get3A_7 = arith.constant 0 : index
    %get3A_8 = arith.constant 0 : index
    %get3A_9 = vector.load %arg3[%get3A_5, %get3A_6, %get3A_7, %get3A_8] : memref<3x1x1x4096xf32, #tpu.memory_space<vmem>>, vector<1x1x1x4096xf32>
    %get3A_10 = vector.shape_cast %get3A_9 : vector<1x1x1x4096xf32> to vector<1x4096xf32>
    %get3A_11 = arith.constant 2 : index
    %get3A_12 = arith.constant 0 : index
    %get3A_13 = arith.constant 0 : index
    %get3A_14 = arith.constant 0 : index
    %get3A_15 = vector.load %arg3[%get3A_11, %get3A_12, %get3A_13, %get3A_14] : memref<3x1x1x4096xf32, #tpu.memory_space<vmem>>, vector<1x1x1x4096xf32>
    %get3A_16 = vector.shape_cast %get3A_15 : vector<1x1x1x4096xf32> to vector<1x4096xf32>
    %get3A_17 = arith.constant 0 : index
    %get3A_18 = arith.constant 0 : index
    %get3A_19 = arith.constant 0 : index
    %get3A_20 = arith.constant 0 : index
    %get3A_21 = vector.load %arg2[%get3A_17, %get3A_18, %get3A_19, %get3A_20] : memref<3x1x256x1xf32, #tpu.memory_space<vmem>>, vector<1x1x256x1xf32>
    %get3A_22 = vector.shape_cast %get3A_21 : vector<1x1x256x1xf32> to vector<256x1xf32>
    %get3A_23 = arith.constant 1 : index
    %get3A_24 = arith.constant 0 : index
    %get3A_25 = arith.constant 0 : index
    %get3A_26 = arith.constant 0 : index
    %get3A_27 = vector.load %arg2[%get3A_23, %get3A_24, %get3A_25, %get3A_26] : memref<3x1x256x1xf32, #tpu.memory_space<vmem>>, vector<1x1x256x1xf32>
    %get3A_28 = vector.shape_cast %get3A_27 : vector<1x1x256x1xf32> to vector<256x1xf32>
    %get3A_29 = arith.constant 2 : index
    %get3A_30 = arith.constant 0 : index
    %get3A_31 = arith.constant 0 : index
    %get3A_32 = arith.constant 0 : index
    %get3A_33 = vector.load %arg2[%get3A_29, %get3A_30, %get3A_31, %get3A_32] : memref<3x1x256x1xf32, #tpu.memory_space<vmem>>, vector<1x1x256x1xf32>
    %get3A_34 = vector.shape_cast %get3A_33 : vector<1x1x256x1xf32> to vector<256x1xf32>
    %convert_element_type3A = arith.truncf %get3A_22 : vector<256x1xf32> to vector<256x1xbf16>
    %convert_element_type3A_35 = arith.extf %convert_element_type3A : vector<256x1xbf16> to vector<256x1xf32>
    %convert_element_type3A_36 = arith.truncf %get3A_4 : vector<1x4096xf32> to vector<1x4096xbf16>
    %convert_element_type3A_37 = arith.extf %convert_element_type3A_36 : vector<1x4096xbf16> to vector<1x4096xf32>
    %mul3A = vector.broadcast %convert_element_type3A_35 : vector<256x1xf32> to vector<256x4096xf32>
    %mul3A_38 = vector.broadcast %convert_element_type3A_37 : vector<1x4096xf32> to vector<256x4096xf32>
    %mul3A_39 = arith.mulf %mul3A, %mul3A_38 : vector<256x4096xf32>
    %convert_element_type3A_40 = arith.truncf %get3A_28 : vector<256x1xf32> to vector<256x1xbf16>
    %convert_element_type3A_41 = arith.extf %convert_element_type3A_40 : vector<256x1xbf16> to vector<256x1xf32>
    %convert_element_type3A_42 = arith.truncf %get3A_10 : vector<1x4096xf32> to vector<1x4096xbf16>
    %convert_element_type3A_43 = arith.extf %convert_element_type3A_42 : vector<1x4096xbf16> to vector<1x4096xf32>
    %mul3A_44 = vector.broadcast %convert_element_type3A_41 : vector<256x1xf32> to vector<256x4096xf32>
    %mul3A_45 = vector.broadcast %convert_element_type3A_43 : vector<1x4096xf32> to vector<256x4096xf32>
    %mul3A_46 = arith.mulf %mul3A_44, %mul3A_45 : vector<256x4096xf32>
    %add3A = arith.addf %mul3A_39, %mul3A_46 : vector<256x4096xf32>
    %convert_element_type3A_47 = arith.truncf %get3A_34 : vector<256x1xf32> to vector<256x1xbf16>
    %convert_element_type3A_48 = arith.extf %convert_element_type3A_47 : vector<256x1xbf16> to vector<256x1xf32>
    %convert_element_type3A_49 = arith.truncf %get3A_16 : vector<1x4096xf32> to vector<1x4096xbf16>
    %convert_element_type3A_50 = arith.extf %convert_element_type3A_49 : vector<1x4096xbf16> to vector<1x4096xf32>
    %mul3A_51 = vector.broadcast %convert_element_type3A_48 : vector<256x1xf32> to vector<256x4096xf32>
    %mul3A_52 = vector.broadcast %convert_element_type3A_50 : vector<1x4096xf32> to vector<256x4096xf32>
    %mul3A_53 = arith.mulf %mul3A_51, %mul3A_52 : vector<256x4096xf32>
    %add3A_54 = arith.addf %add3A, %mul3A_53 : vector<256x4096xf32>
    %mul3A_55 = arith.mulf %get3A_22, %get3A_22 : vector<256x1xf32>
    %mul3A_56 = arith.mulf %get3A_28, %get3A_28 : vector<256x1xf32>
    %add3A_57 = arith.addf %mul3A_55, %mul3A_56 : vector<256x1xf32>
    %mul3A_58 = arith.mulf %get3A_34, %get3A_34 : vector<256x1xf32>
    %add3A_59 = arith.addf %add3A_57, %mul3A_58 : vector<256x1xf32>
    %mul3A_60 = arith.mulf %get3A_4, %get3A_4 : vector<1x4096xf32>
    %mul3A_61 = arith.mulf %get3A_10, %get3A_10 : vector<1x4096xf32>
    %add3A_62 = arith.addf %mul3A_60, %mul3A_61 : vector<1x4096xf32>
    %mul3A_63 = arith.mulf %get3A_16, %get3A_16 : vector<1x4096xf32>
    %add3A_64 = arith.addf %add3A_62, %mul3A_63 : vector<1x4096xf32>
    %mul3A_65 = arith.constant -2.000000e+00 : f32
    %mul3A_66 = vector.broadcast %mul3A_65 : f32 to vector<256x4096xf32>
    %mul3A_67 = arith.mulf %mul3A_66, %add3A_54 : vector<256x4096xf32>
    %add3A_68 = vector.broadcast %add3A_59 : vector<256x1xf32> to vector<256x4096xf32>
    %add3A_69 = arith.addf %mul3A_67, %add3A_68 : vector<256x4096xf32>
    %add3A_70 = vector.broadcast %add3A_64 : vector<1x4096xf32> to vector<256x4096xf32>
    %add3A_71 = arith.addf %add3A_69, %add3A_70 : vector<256x4096xf32>
    %swap3A = arith.constant 0 : index
    %swap3A_72 = arith.constant 0 : index
    %swap3A_73 = vector.load %arg5[%swap3A, %swap3A_72] : memref<256x4096xf32, #tpu.memory_space<vmem>>, vector<256x4096xf32>
    tpu.vector_store %arg5[%swap3A, %swap3A_72], %add3A_71 {strides = array<i32>} : memref<256x4096xf32, #tpu.memory_space<vmem>>, vector<256x4096xf32>,
    %iota3A = tpu.iota {dimensions = array<i32: 1>} : vector<256x4096xi32>
    %convert_element_type3A_74 = arith.sitofp %iota3A : vector<256x4096xi32> to vector<256x4096xf32>
    %swap3A_75 = arith.constant 0 : index
    %swap3A_76 = arith.constant 0 : index
    %swap3A_77 = vector.load %arg6[%swap3A_75, %swap3A_76] : memref<256x4096xf32, #tpu.memory_space<vmem>>, vector<256x4096xf32>
    tpu.vector_store %arg6[%swap3A_75, %swap3A_76], %convert_element_type3A_74 {strides = array<i32>} : memref<256x4096xf32, #tpu.memory_space<vmem>>, vector<256x4096xf32>,
    %iota3A_78 = tpu.iota {dimensions = array<i32: 1>} : vector<256x32xi32>
    %swap3A_79 = arith.constant 0 : index
    %swap3A_80 = arith.constant 0 : index
    %swap3A_81 = vector.load %arg7[%swap3A_79, %swap3A_80] : memref<256x32xi32, #tpu.memory_space<vmem>>, vector<256x32xi32>
    tpu.vector_store %arg7[%swap3A_79, %swap3A_80], %iota3A_78 {strides = array<i32>} : memref<256x32xi32, #tpu.memory_space<vmem>>, vector<256x32xi32>,
    %get3A_82 = arith.constant 0 : index
    %get3A_83 = arith.constant 0 : index
    %get3A_84 = vector.load %arg6[%get3A_82, %get3A_83] : memref<256x4096xf32, #tpu.memory_space<vmem>>, vector<256x4096xf32>
    %get3A_85 = arith.constant 0 : index
    %get3A_86 = arith.constant 0 : index
    %get3A_87 = vector.load %arg7[%get3A_85, %get3A_86] : memref<256x32xi32, #tpu.memory_space<vmem>>, vector<256x32xi32>
    %broadcast_in_dim3A = arith.constant 0 : i32
    %broadcast_in_dim3A_88 = vector.broadcast %broadcast_in_dim3A : i32 to vector<256x32xi32>
    %scan3A = arith.constant 4.096000e+03 : f32
    %scan3A_89 = arith.constant 1.000000e+30 : f32
    %scan3A_90 = arith.constant 0 : i32
    %scan3A_91 = arith.constant 32 : i32
    %scan3A_92 = arith.addi %scan3A_90, %scan3A_91 : i32
    %scan3A_93 = arith.constant 1 : i32
    %scan3A_94 = scf.for %scan3A_100 = %scan3A_90 to %scan3A_92 step %scan3A_93 iter_args(%scan3A_101 = %broadcast_in_dim3A_88) -> (vector<256x32xi32>)  : i32 {
      %get3A_102 = arith.constant 0 : index
      %get3A_103 = arith.constant 0 : index
      %get3A_104 = vector.load %arg5[%get3A_102, %get3A_103] : memref<256x4096xf32, #tpu.memory_space<vmem>>, vector<256x4096xf32>
      %reduce_min3A = arith.constant dense<0x7F800000> : vector<256xf32>
      %reduce_min3A_105 = vector.multi_reduction <minimumf>, %get3A_104, %reduce_min3A [1] : vector<256x4096xf32> to vector<256xf32>
      %broadcast_in_dim3A_106 = vector.shape_cast %reduce_min3A_105 : vector<256xf32> to vector<256x1xf32>
      %broadcast_in_dim3A_107 = vector.shape_cast %broadcast_in_dim3A_106 : vector<256x1xf32> to vector<256x1xf32>
      %broadcast_in_dim3A_108 = vector.broadcast %broadcast_in_dim3A_107 : vector<256x1xf32> to vector<256x4096xf32>
      %eq3A = arith.cmpf oeq, %get3A_104, %broadcast_in_dim3A_108 : vector<256x4096xf32>
      %broadcast_in_dim3A_109 = vector.broadcast %scan3A : f32 to vector<256x4096xf32>
      %select_n3A = arith.select %eq3A, %get3A_84, %broadcast_in_dim3A_109 : vector<256x4096xi1>, vector<256x4096xf32>
      %reduce_min3A_110 = arith.constant dense<0x7F800000> : vector<256xf32>
      %reduce_min3A_111 = vector.multi_reduction <minimumf>, %select_n3A, %reduce_min3A_110 [1] : vector<256x4096xf32> to vector<256xf32>
      %broadcast_in_dim3A_112 = vector.shape_cast %reduce_min3A_111 : vector<256xf32> to vector<256x1xf32>
      %eq3A_113 = vector.broadcast %scan3A_100 : i32 to vector<256x32xi32>
      %eq3A_114 = arith.cmpi eq, %get3A_87, %eq3A_113 : vector<256x32xi32>
      %convert_element_type3A_115 = arith.extui %eq3A_114 : vector<256x32xi1> to vector<256x32xi32>
      %convert_element_type3A_116 = arith.fptosi %broadcast_in_dim3A_112 : vector<256x1xf32> to vector<256x1xi32>
      %broadcast_in_dim3A_117 = vector.shape_cast %convert_element_type3A_116 : vector<256x1xi32> to vector<256x1xi32>
      %broadcast_in_dim3A_118 = vector.broadcast %broadcast_in_dim3A_117 : vector<256x1xi32> to vector<256x32xi32>
      %mul3A_119 = arith.muli %convert_element_type3A_115, %broadcast_in_dim3A_118 : vector<256x32xi32>
      %add3A_120 = arith.addi %scan3A_101, %mul3A_119 : vector<256x32xi32>
      %broadcast_in_dim3A_121 = vector.shape_cast %broadcast_in_dim3A_112 : vector<256x1xf32> to vector<256x1xf32>
      %broadcast_in_dim3A_122 = vector.broadcast %broadcast_in_dim3A_121 : vector<256x1xf32> to vector<256x4096xf32>
      %eq3A_123 = arith.cmpf oeq, %broadcast_in_dim3A_122, %get3A_84 : vector<256x4096xf32>
      %broadcast_in_dim3A_124 = vector.broadcast %scan3A_89 : f32 to vector<256x4096xf32>
      %select_n3A_125 = arith.select %eq3A_123, %broadcast_in_dim3A_124, %get3A_104 : vector<256x4096xi1>, vector<256x4096xf32>
      %swap3A_126 = arith.constant 0 : index
      %swap3A_127 = arith.constant 0 : index
      %swap3A_128 = vector.load %arg5[%swap3A_126, %swap3A_127] : memref<256x4096xf32, #tpu.memory_space<vmem>>, vector<256x4096xf32>
      tpu.vector_store %arg5[%swap3A_126, %swap3A_127], %select_n3A_125 {strides = array<i32>} : memref<256x4096xf32, #tpu.memory_space<vmem>>, vector<256x4096xf32>,
      scf.yield %add3A_120 : vector<256x32xi32>
    }
    %scan3A_95 = arith.constant 32 : i32
    %reshape3A = vector.shape_cast %scan3A_94 : vector<256x32xi32> to vector<1x256x32xi32>
    %swap3A_96 = arith.constant 0 : index
    %swap3A_97 = arith.constant 0 : index
    %swap3A_98 = arith.constant 0 : index
    %swap3A_99 = vector.load %arg4[%swap3A_96, %swap3A_97, %swap3A_98] : memref<1x256x32xi32, #tpu.memory_space<vmem>>, vector<1x256x32xi32>
    tpu.vector_store %arg4[%swap3A_96, %swap3A_97, %swap3A_98], %reshape3A {strides = array<i32>} : memref<1x256x32xi32, #tpu.memory_space<vmem>>, vector<1x256x32xi32>,
    return
  }
  func.func @transform_0(%arg0: i32, %arg1: i32) -> (i32, i32, i32, i32) {
    %c0_i32 = arith.constant 0 : i32
    %c0_i32_0 = arith.constant 0 : i32
    %c0_i32_1 = arith.constant 0 : i32
    return %c0_i32, %arg0, %arg1, %c0_i32_0 : i32, i32, i32, i32
  }
  func.func @transform_1(%arg0: i32, %arg1: i32) -> (i32, i32, i32, i32) {
    %c0_i32 = arith.constant 0 : i32
    %c0_i32_0 = arith.constant 0 : i32
    %c0_i32_1 = arith.constant 0 : i32
    %c0_i32_2 = arith.constant 0 : i32
    return %c0_i32, %arg0, %c0_i32_0, %c0_i32_1 : i32, i32, i32, i32
  }
  func.func @transform_2(%arg0: i32, %arg1: i32) -> (i32, i32, i32) {
    %c0_i32 = arith.constant 0 : i32
    %c0_i32_0 = arith.constant 0 : i32
    return %arg0, %arg1, %c0_i32 : i32, i32, i32
  }
}

</mosaic_0001>

<sc_bundles>
// kernel: kernel.6.cloned.1.call-start
scs
__scs_entry_jumppad:
0x0: {  	(pc) =	sbr.rel $0x88, $3  }
0x1: {  	(tag) =	ssettag $0x0;
	lr =	simm.s32 $0x1  }
0x2: {  	[smem:$0x3F9F] =	sst lr;
	_ =	strace $0xD0000000  }
0x3: {  	_ = 	snop  }
0x4: {  	_ = 	snop  }
0x5: {  	_ = 	snop  }
0x6: {  	_ = 	snop  }
0x7: {  	_ = 	snop  }
__scs_overlays_trampoline_lowered:
0x8: {  	[smem:$0x3FAE] =	sst s0  }
0x9: {  	[smem:$0x3FAF] =	sst s1  }
0xa: {  	[smem:$0x3FB0] =	sst s2  }
0xb: {  	[smem:$0x3FB1] =	sst s3  }
0xc: {  	[smem:$0x3FB2] =	sst s4  }
0xd: {  	[smem:$0x3FB3] =	sst s5  }
0xe: {  	[smem:$0x3FB4] =	sst s6  }
0xf: {  	[smem:$0x3FB5] =	sst s7  }
0x10: {  	[smem:$0x3FB6] =	sst s8  }
0x11: {  	[smem:$0x3FB7] =	sst s9;
	s0 =	simm.s32 @!p0 $0x0  }
0x12: {  	s1 =	sld [smem:$0x3F9D];
	s0 =	simm.s32 @p0 $0x1  }
0x13: {  	[smem:$0x3FB8] =	sst s0;
	s0 =	simm.s32 @!p1 $0x0  }
0x14: {  	s2 =	sld [smem:$0x3F9C];
	s0 =	simm.s32 @p1 $0x1  }
0x15: {  	[smem:$0x3FB9] =	sst s0;
	s0 =	simm.s32 @!p2 $0x0  }
0x16: {  	s3 =	sld [smem:$0x3FDB];
	s0 =	simm.s32 @p2 $0x1  }
0x17: {  	s4 =	simm.s32 $0x1BF5;
	[smem:$0x3FBB] =	sst s0  }
0x18: {  	s0 =	sld [smem:$0x3F9E];
	_ =	swait.ge [sflag:s4], $0x0  }
0x19: {  	s7 =	sld [smem:$0x3F9F]  }
0x1a: {  	s8 =	sadd.s32 $0xFFFFE003, lr  }
0x1b: {  	s9 =	sadd.s32 $0xFFFFFEF7, lr;
	s5 =	simm.s32 $0xFFFFFFFF;
	p2 =	slt.u32 s8, $0xFFFFF086  }
0x1c: {  	p1 =	slt.u32 s9, $0xF7A;
	s5 =	simm.s32 @!p2 $0x0  }
0x1d: {  	s5 =	simm.s32 @p1 $0x1;
	p0 =	seq.s32 s7, s2  }
0x1e: {  	s7 =	smul.u32 @!p0 $0xF7A, s2;
	p2 =	seq.s32 @!p0 s5, $0x0  }
0x1f: {  	s9 =	smul.u32 $0xF7A, s1;
	s8 =	simm.s32 @!p0 $0x1BF5;
	p2 =	por !p2, p0  }
0x20: {  	[sflag:s8] =	ssyncset.s32 @!p0 $0xFFFFF086;
	s6 =	sadd.s32 @!p0 s3, s7;
	s7 =	simm.s32 @!p0 $0x108  }
0x21: {  	s3 =	sadd.s32 s3, s9;
	s6 =	sadd.s32 @!p0 $0x88, s6;
	s7 =	simm.s32 @p2 $0x1082  }
0x22: {  	[simem:s7], [sflag:s8] =	dma.local @!p0 [hbm:s6], $0xF7A  }
0x23: {  	s9 =	sor.u32 $0xD0000000, s2;
	s6 =	simm.s32 $0x108;
	_ =	swait.ge @!p0 [sflag:s8], $0x0  }
0x24: {  	s3 =	sadd.s32 $0x88, s3;
	s6 =	simm.s32 @!p1 $0x1082;
	[sflag:s4] =	ssyncset.s32 $0xFFFFF086  }
0x25: {  	[simem:s6], [sflag:s4] =	dma.local [hbm:s3], $0xF7A  }
0x26: {  	[smem:$0x3F9F] =	sst s1;
	(tag) =	ssettag s2;
	_ =	strace s9  }
0x27: {  	s1 =	sld [smem:$0x3FAF]  }
0x28: {  	s2 =	sld [smem:$0x3FB0]  }
0x29: {  	s4 =	sld [smem:$0x3FB2]  }
0x2a: {  	p0 =	seq.s32 s5, $0x0;
	s5 =	sld [smem:$0x3FB3]  }
0x2b: {  	s6 =	sld [smem:$0x3FB4]  }
0x2c: {  	s7 =	sld [smem:$0x3FB5]  }
0x2d: {  	s3 =	simm.s32 $0x108;
	s8 =	sld [smem:$0x3FB6]  }
0x2e: {  	s3 =	simm.s32 @!p0 $0x1082;
	s9 =	sld [smem:$0x3FB7]  }
0x2f: {  	lr =	sadd.s32 s0, s3;
	s0 =	sld [smem:$0x3FAE]  }
0x30: {  	s3 =	sld [smem:$0x3FB1]  }
0x31: {  	[smem:$0x3FBA] =	sst s10  }
0x32: {  	s10 =	sld [smem:$0x3FB8];
	_ =	sdelay $0x3  }
0x33: {  	p0 =	seq.s32 s10, $0x1;
	s10 =	sld [smem:$0x3FBA];
	_ =	sdelay $0x3  }
0x34: {  	[smem:$0x3FBA] =	sst s10  }
0x35: {  	s10 =	sld [smem:$0x3FB9];
	_ =	sdelay $0x3  }
0x36: {  	p1 =	seq.s32 s10, $0x1;
	s10 =	sld [smem:$0x3FBA];
	_ =	sdelay $0x3  }
0x37: {  	[smem:$0x3FBA] =	sst s10  }
0x38: {  	s10 =	sld [smem:$0x3FBB]  }
0x39: {  	_ = 	snop;
	(pc) =	sbr.ind lr, $3  }
0x3a: {  	_ = 	snop  }
0x3b: {  	_ = 	snop  }
0x3c: {  	p2 =	seq.s32 s10, $0x1;
	s10 =	sld [smem:$0x3FBA]  }
0x3d: {  	_ =	shalt  }
0x3e: {  	_ =	shalt  }
0x3f: {  	_ =	shalt  }
0x40: {  	_ =	shalt  }
0x41: {  	_ =	shalt  }
0x42: {  	_ =	shalt  }
0x43: {  	_ =	shalt  }
0x44: {  	_ =	shalt  }
0x45: {  	_ =	shalt  }
0x46: {  	_ =	shalt  }
0x47: {  	_ =	shalt  }
0x48: {  	_ =	shalt  }
0x49: {  	_ =	shalt  }
0x4a: {  	_ =	shalt  }
0x4b: {  	_ =	shalt  }
0x4c: {  	_ =	shalt  }
0x4d: {  	_ =	shalt  }
0x4e: {  	_ =	shalt  }
0x4f: {  	_ =	shalt  }
0x50: {  	_ =	shalt  }
0x51: {  	_ =	shalt  }
0x52: {  	_ =	shalt  }
0x53: {  	_ =	shalt  }
0x54: {  	_ =	shalt  }
0x55: {  	_ =	shalt  }
0x56: {  	_ =	shalt  }
0x57: {  	_ =	shalt  }
0x58: {  	_ =	shalt  }
0x59: {  	_ =	shalt  }
0x5a: {  	_ =	shalt  }
0x5b: {  	_ =	shalt  }
0x5c: {  	_ =	shalt  }
0x5d: {  	_ =	shalt  }
0x5e: {  	_ =	shalt  }
0x5f: {  	_ =	shalt  }
0x60: {  	_ =	shalt  }
0x61: {  	_ =	shalt  }
0x62: {  	_ =	shalt  }
0x63: {  	_ =	shalt  }
0x64: {  	_ =	shalt  }
0x65: {  	_ =	shalt  }
0x66: {  	_ =	shalt  }
0x67: {  	_ =	shalt  }
0x68: {  	_ =	shalt  }
0x69: {  	_ =	shalt  }
0x6a: {  	_ =	shalt  }
0x6b: {  	_ =	shalt  }
0x6c: {  	_ =	shalt  }
0x6d: {  	_ =	shalt  }
0x6e: {  	_ =	shalt  }
0x6f: {  	_ =	shalt  }
0x70: {  	_ =	shalt  }
0x71: {  	_ =	shalt  }
0x72: {  	_ =	shalt  }
0x73: {  	_ =	shalt  }
0x74: {  	_ =	shalt  }
0x75: {  	_ =	shalt  }
0x76: {  	_ =	shalt  }
0x77: {  	_ =	shalt  }
0x78: {  	_ =	shalt  }
0x79: {  	_ =	shalt  }
0x7a: {  	_ =	shalt  }
0x7b: {  	_ =	shalt  }
0x7c: {  	_ =	shalt  }
0x7d: {  	_ =	shalt  }
0x7e: {  	_ =	shalt  }
0x7f: {  	_ =	shalt  }
0x80: {  	_ =	shalt  }
0x81: {  	_ =	shalt  }
0x82: {  	_ =	shalt  }
0x83: {  	_ =	shalt  }
0x84: {  	_ =	shalt  }
0x85: {  	_ =	shalt  }
0x86: {  	_ =	shalt  }
0x87: {  	_ =	shalt  }
.Lfunc_end0:
.L_simem_size_0:
called_computation_lowered:
.L_overlay_start_0:
0x88: {  	s2 =	sld [smem:$0x3FD9]  }
0x89: {  	s3 =	sld [smem:$0x3FFE];
	_ =	sdelay $0x1  }
0x8a: {  	s1 =	srdreg.scid  }
0x8b: {  	s0 =	sand.u32 $0x1, s1  }
0x8c: {  	s15 =	sshll.u32 s0, $0xA;
	s2 =	sadd.s32 s3, s2  }
0x8d: {  	s2 =	sadd.s32 s2, s15  }
0x8e: {  	[smem:$0x3FC6] =	sst s2  }
0x8f: {  	_ = 	snop  }
0x90: {  	s16 =	sld [smem:$0x3FD0];
	_ =	sdelay $0x2  }
0x91: {  	s4 =	simm.s32 $0xB;
	s5 =	simm.s32 $0x10;
	s2 =	sld [smem:$0x3FC8]  }
0x92: {  	[smem:s5], [sflag:s4] =	dma.local [hbm:s16], $0x1  }
0x93: {  	_ =	swait.eq [sflag:s4], $0x1  }
0x94: {  	[sflag:s4] =	ssyncset.done $0x0  }
0x95: {  	[sflag:s4] =	ssyncadd.s32 $0xFFFFFFFF  }
0x96: {  	s17 =	sld [smem:$0x11];
	(tm) =	ssettm $0x1  }
0x97: {  	s18 =	sld [smem:$0x3FFB];
	_ =	sdelay $0x3  }
0x98: {  	_ =	strace s18  }
0x99: {  	s3 =	sld [smem:$0x3FFC];
	_ =	sdelay $0x3  }
0x9a: {  	_ =	strace s3  }
0x9b: {  	s3 =	sld [smem:$0x3FFD];
	_ =	sdelay $0x3  }
0x9c: {  	_ =	strace s3  }
0x9d: {  	_ =	strace $0x8FFFFFFF  }
0x9e: {  	s19 =	sld [smem:$0x3FDB];
	_ =	sdelay $0x1  }
0x9f: {  	s20 =	simm.s32 $_scs_section_size  }
0xa0: {  	s6 =	simm.s32 $_size__tile_overlayer_lowered;
	s7 =	simm.s32 $_tile_overlayer_lowered  }
0xa1: {  	s8 =	simm.s32 $0x1BFF;
	s21 =	sshll.u32 s7, $0x1;
	s5 =	sadd.s32 s20, s19  }
0xa2: {  	s22 =	simm.s32 $0x0;
	s6 =	sshll.u32 s6, $0x1;
	s7 =	sadd.s32 s21, s5  }
0xa3: {  	[timem:s22], [sflag:s8] =	dma.local [hbm:s7], s6  }
0xa4: {  	_ =	swait.ge [sflag:s8], s6  }
0xa5: {  	s6 =	ssub.s32 $0x0, s6;
	[sflag:s8] =	ssyncset.done $0x0  }
0xa6: {  	[sflag:s8] =	ssyncadd.s32 s6;
	_ =	sdelay $0x1  }
0xa7: {  	s23 =	simm.s32 $0x1B8B  }
0xa8: {  	_ =	swait.ge [sflag:s23], $0x1  }
0xa9: {  	[sflag:s23] =	ssyncset.done $0x0  }
0xaa: {  	[sflag:s23] =	ssyncadd.s32 $0xFFFFFFFF  }
0xab: {  	s6 =	sld [smem:$0x0]  }
0xac: {  	s7 =	sand.u32 $0xFFFFFFFE, s1  }
0xad: {  	p0 =	sne.s32 s1, s7  }
0xae: {  	s7 =	sshll.u32 @p0 s7, $0xE  }
0xaf: {  	s7 =	sadd.s32 @p0 $0x11B8D, s7;
	s8 =	sshll.u32 @p0 s6, $0x11  }
0xb0: {  	s7 =	sor.u32 @p0 s8, s7  }
0xb1: {  	[sflag:s7] =	ssyncadd.remote.s32 @p0 $0x1;
	_ =	sdelay $0x1  }
0xb2: {  	s7 =	simm.s32 @p0 $0x1B8D  }
0xb3: {  	_ =	swait.eq @p0 [sflag:s7], $0x1  }
0xb4: {  	[sflag:s7] =	ssyncadd.s32 @p0 $0xFFFFFFFF  }
0xb5: {  	s8 =	sshll.u32 @!p0 s1, $0xE  }
0xb6: {  	s8 =	sor.u32 @!p0 $0x4000, s8;
	s7 =	simm.s32 @!p0 $0x1B8D  }
0xb7: {  	s6 =	sshll.u32 @!p0 s6, $0x11;
	s8 =	sadd.s32 @!p0 $0x11B8D, s8;
	_ =	swait.eq @!p0 [sflag:s7], $0x1  }
0xb8: {  	s6 =	sor.u32 @!p0 s6, s8;
	[sflag:s7] =	ssyncadd.s32 @!p0 $0xFFFFFFFF  }
0xb9: {  	s25 =	simm.s32 $0x1B8E;
	s24 =	sld [smem:$0x3FFE];
	[sflag:s6] =	ssyncadd.remote.s32 @!p0 $0x1  }
0xba: {  	s26 =	simm.s32 $execute0_lowered;
	[smem:$0x3FD2] =	sst s25  }
0xbb: {  	s7 =	sshll.u32 s26, $0x1;
	_ =	strace $0x80000049;
	[dreg:$0x1] =	wrdreg $0xFFFFFFFF  }
0xbc: {  	s28 =	simm.s32 $_size_execute0_lowered;
	s5 =	sadd.s32 s5, s7;
	[dreg:$0x0] =	wrdreg $0x0  }
0xbd: {  	s7 =	sshll.u32 s28, $0x1;
	[dreg:$0x2] =	wrdreg s5  }
0xbe: {  	[dreg:$0x3] =	wrdreg s7  }
0xbf: {  	[dreg:$0x4] =	wrdreg $0xC0  }
0xc0: {  	_ =	task [dreg:s22], $0x5FFFF  }
0xc1: {  	[dreg:$0x1] =	wrdreg $0xFFFFFFFF  }
0xc2: {  	[dreg:$0x0] =	wrdreg $0x60  }
0xc3: {  	[dreg:$0x2] =	wrdreg s24  }
0xc4: {  	[dreg:$0x3] =	wrdreg s2  }
0xc5: {  	[dreg:$0x4] =	wrdreg s17  }
0xc6: {  	[dreg:$0x5] =	wrdreg $0x9  }
0xc7: {  	_ =	task.clear_ibuf [dreg:s22], $0x6FFFF;
	_ =	strace $0x90000049  }
0xc8: {  	s29 =	simm.s32 $0x9;
	_ =	strace $0x8000004B  }
0xc9: {  	_ =	swait.ge [sflag:s29], $0x1  }
0xca: {  	[sflag:s29] =	ssyncadd.s32 $0xFFFFFFFF  }
0xcb: {  	_ =	strace $0x9000004B  }
0xcc: {  	_ =	sfence  }
0xcd: {  	s30 =	sld [smem:$0x0];
	_ =	sdelay $0x2  }
0xce: {  	s31 =	sshll.u32 s1, $0xD;
	s1 =	sshrl.u32 s1, $0x2  }
0xcf: {  	s4 =	sand.u32 $0x4000, s31;
	s1 =	sadd.s32 s1, s30  }
0xd0: {  	s0 =	sor.u32 s4, s0;
	s1 =	sshll.u32 s1, $0x11  }
0xd1: {  	s0 =	sor.u32 s1, s0  }
0xd2: {  	s0 =	sadd.s32 $0x8F2B, s0  }
0xd3: {  	[sflag:s0] =	ssyncadd.remote.s32 $0x1  }
0xd4: {  	_ =	sfence.sel $0xFFFF  }
0xd5: {  	[dreg:$0x0] =	wrdreg $0xFFFFFFFF;
	(pc) =	sbr.abs _section_cstart, $3  }
0xd6: {  	[dreg:$0x1] =	wrdreg $0xFFFFFFFF  }
0xd7: {  	_ =	task.clear_ibuf [dreg:s22], $0x2FFFF;
	_ =	strace $0x9FFFFFFF  }
0xd8: {  	(tm) =	ssettm $0x7FFFFFFF  }
0xd9: {  	_ =	shalt  }
tec
execute0_lowered:
.L_overlay_start_1:
0x0: {  	(tag) =	ssettag $0x1  }
0x1: {  	s1 =	srdreg.scid  }
0x2: {  	s4 =	rddreg [dreg:$0x0];
	s0 =	stileid.u32;
	s6 =	sand.u32 $0x1, s1  }
0x3: {  	s2 =	rddreg [dreg:$0x1];
	s30 =	sshll.u32 s0, $0x8;
	s3 =	sshll.u32 s6, $0x7  }
0x4: {  	s8 =	rddreg [dreg:$0x2];
	s9 =	sor.u32 s3, s30  }
0x5: {  	s1 =	rddreg [dreg:$0x3];
	s3 =	simm.s32 $0x0;
	s5 =	sshrl.u32 s9, $0x3  }
0x6: {  	s10 =	ssub.s32 $0x2, s6;
	[smem:$0x7FF] =	sst s3;
	s4 =	sadd.s32 s5, s4  }
0x7: {  	_ =	strace $0x8000004A;
	s5 =	sadd.s32 $0x281000, s4;
	s4 =	simm.s32 $0x2  }
0x8: {  	[tilespmem:s3], [sflag:$0x2] =	stream.linear.gather [hbm4b:s5+s3], $0x80, $0x38;
	[tilespmem:$0x4080] =	vst v63  }
0x9: {  	s11 =	sshrl.u32 s10, $0x1;
	_ =	swait.ge [sflag:s4], $0x80  }
0xa: {  	s7 =	simm.s32 $0x1;
	s10 =	ssub.s32 s10, s11;
	[sflag:s4] =	ssyncset.done $0x0  }
0xb: {  	s6 =	simm.s32 $0x80;
	s31 =	smax.u32 s10, $0x1;
	[sflag:s4] =	ssyncadd.s32 $0xFFFFFF80  }
0xc: {  	[tilespmem:s6], [sflag:$0x1] =	stream.indirect.gather [hbm4b:s2+s6], $0x80, s3, s6, $0xb8;
	[tilespmem:$0x4080] =	vst v63  }
0xd: {  	p0 =	sne.s32 s31, $0x1;
	_ =	swait.ge [sflag:s7], $0x4000  }
.Ltmp0:
0xe: {  	s9 =	sshll.u32 s9, $0x4;
	[sflag:s7] =	ssyncset.done $0x0;
	(pc) =	sbr.rel @!p0 .LBB2_2-.Ltmp0, $4  }
0xf: {  	s8 =	sadd.s32 s8, s9;
	[sflag:s7] =	ssyncadd.s32 $0xFFFFC000  }
0x10: {  	[hbm4b:s8+s3] =	stream.linear.scatter [tilespmem:s6], [sflag:$0x2], $0x4000, $0x38;
	[tilespmem:$0x4080] =	vst v63  }
0x11: {  	_ =	swait.ge [sflag:s4], $0x4000  }
0x12: {  	s9 =	sadd.s32 $0xFFFFFFFF, s31;
	[sflag:s4] =	ssyncset.done $0x0  }
.LBB2_1:
0x13: {  	p0 =	sne.s32 s9, $0x1;
	s9 =	sadd.s32 $0xFFFFFFFF, s9;
	[sflag:s4] =	ssyncadd.s32 $0xFFFFC000  }
0x14: {  	[tilespmem:s3], [sflag:$0x2] =	stream.linear.gather [hbm4b:s5+s3], $0x80, $0x38;
	[tilespmem:$0x4080] =	vst v63  }
0x15: {  	_ =	swait.ge [sflag:s4], $0x80  }
0x16: {  	[sflag:s4] =	ssyncset.done $0x0  }
0x17: {  	[sflag:s4] =	ssyncadd.s32 $0xFFFFFF80  }
0x18: {  	[tilespmem:s6], [sflag:$0x1] =	stream.indirect.gather [hbm4b:s2+s6], $0x80, s3, s6, $0xb8;
	[tilespmem:$0x4080] =	vst v63  }
0x19: {  	_ =	swait.ge [sflag:s7], $0x4000  }
.Ltmp1:
0x1a: {  	[sflag:s7] =	ssyncset.done $0x0;
	(pc) =	sbr.rel @p0 .LBB2_1-.Ltmp1, $4  }
0x1b: {  	[sflag:s7] =	ssyncadd.s32 $0xFFFFC000  }
0x1c: {  	[hbm4b:s8+s3] =	stream.linear.scatter [tilespmem:s6], [sflag:$0x2], $0x4000, $0x38;
	[tilespmem:$0x4080] =	vst v63  }
0x1d: {  	_ =	swait.ge [sflag:s4], $0x4000  }
0x1e: {  	[sflag:s4] =	ssyncset.done $0x0  }
.LBB2_2:
0x1f: {  	[sflag:s4] =	ssyncadd.s32 $0xFFFFC000  }
0x20: {  	_ =	sfence.sel $0x180000  }
0x21: {  	[bflag:$0x0] =	sbarrier.arrive $0xFFFF  }
0x22: {  	p0 =	sne.s32 s0, $0x0;
	_ =	strace $0x9000004A  }
0x23: {  	s0 =	sadd.s32 @!p0 $0x100000, s1;
	[bflag:$0x2] =	sbarrier.arrive $0xFFFF  }
0x24: {  	[sflag:s0] =	ssyncadd.tile.s32 @!p0 $0x1;
	_ =	shalt  }
.Lfunc_end2:
_tile_overlayer_lowered:
.L_overlay_start_2:
0x25: {  	(tag) =	ssettag $0x2  }
0x26: {  	s0 =	rddreg [dreg:$0x0];
	s2 =	stileid.u32  }
0x27: {  	s1 =	rddreg [dreg:$0x1];
	p0 =	sne.s32 s2, $0x0  }
0x28: {  	s3 =	rddreg [dreg:$0x2];
	[bflag:$0x3] =	sbarrier.arrive $0xFFFF;
	s2 =	simm.s32 @!p0 $0x1C02  }
0x29: {  	[timem:s3], [sflag:s2] =	dma.local @!p0 [hbm:s0], s1  }
0x2a: {  	s0 =	simm.s32 @!p0 $0x2  }
0x2b: {  	_ =	swait.ge @!p0 [sflag:s0], s1  }
0x2c: {  	s1 =	ssub.s32 @!p0 $0x0, s1;
	[sflag:s0] =	ssyncset.done @!p0 $0x0  }
0x2d: {  	[sflag:s0] =	ssyncadd.s32 @!p0 s1  }
0x2e: {  	[bflag:$0x3] =	sbarrier.arrive $0xFFFF  }
0x2f: {  	_ =	shalt  }

// kernel: kernel.9.cloned.1.call-start
scs
__scs_entry_jumppad:
0x0: {  	(pc) =	sbr.rel $0x88, $3  }
0x1: {  	(tag) =	ssettag $0x0;
	lr =	simm.s32 $0x1  }
0x2: {  	[smem:$0x3F9F] =	sst lr;
	_ =	strace $0xD0000000  }
0x3: {  	_ = 	snop  }
0x4: {  	_ = 	snop  }
0x5: {  	_ = 	snop  }
0x6: {  	_ = 	snop  }
0x7: {  	_ = 	snop  }
__scs_overlays_trampoline_lowered:
0x8: {  	[smem:$0x3FAE] =	sst s0  }
0x9: {  	[smem:$0x3FAF] =	sst s1  }
0xa: {  	[smem:$0x3FB0] =	sst s2  }
0xb: {  	[smem:$0x3FB1] =	sst s3  }
0xc: {  	[smem:$0x3FB2] =	sst s4  }
0xd: {  	[smem:$0x3FB3] =	sst s5  }
0xe: {  	[smem:$0x3FB4] =	sst s6  }
0xf: {  	[smem:$0x3FB5] =	sst s7  }
0x10: {  	[smem:$0x3FB6] =	sst s8  }
0x11: {  	[smem:$0x3FB7] =	sst s9;
	s0 =	simm.s32 @!p0 $0x0  }
0x12: {  	s1 =	sld [smem:$0x3F9D];
	s0 =	simm.s32 @p0 $0x1  }
0x13: {  	[smem:$0x3FB8] =	sst s0;
	s0 =	simm.s32 @!p1 $0x0  }
0x14: {  	s2 =	sld [smem:$0x3F9C];
	s0 =	simm.s32 @p1 $0x1  }
0x15: {  	[smem:$0x3FB9] =	sst s0;
	s0 =	simm.s32 @!p2 $0x0  }
0x16: {  	s3 =	sld [smem:$0x3FDB];
	s0 =	simm.s32 @p2 $0x1  }
0x17: {  	s4 =	simm.s32 $0x1BF5;
	[smem:$0x3FBB] =	sst s0  }
0x18: {  	s0 =	sld [smem:$0x3F9E];
	_ =	swait.ge [sflag:s4], $0x0  }
0x19: {  	s7 =	sld [smem:$0x3F9F]  }
0x1a: {  	s8 =	sadd.s32 $0xFFFFE003, lr  }
0x1b: {  	s9 =	sadd.s32 $0xFFFFFEF7, lr;
	s5 =	simm.s32 $0xFFFFFFFF;
	p2 =	slt.u32 s8, $0xFFFFF086  }
0x1c: {  	p1 =	slt.u32 s9, $0xF7A;
	s5 =	simm.s32 @!p2 $0x0  }
0x1d: {  	s5 =	simm.s32 @p1 $0x1;
	p0 =	seq.s32 s7, s2  }
0x1e: {  	s7 =	smul.u32 @!p0 $0xF7A, s2;
	p2 =	seq.s32 @!p0 s5, $0x0  }
0x1f: {  	s9 =	smul.u32 $0xF7A, s1;
	s8 =	simm.s32 @!p0 $0x1BF5;
	p2 =	por !p2, p0  }
0x20: {  	[sflag:s8] =	ssyncset.s32 @!p0 $0xFFFFF086;
	s6 =	sadd.s32 @!p0 s3, s7;
	s7 =	simm.s32 @!p0 $0x108  }
0x21: {  	s3 =	sadd.s32 s3, s9;
	s6 =	sadd.s32 @!p0 $0x88, s6;
	s7 =	simm.s32 @p2 $0x1082  }
0x22: {  	[simem:s7], [sflag:s8] =	dma.local @!p0 [hbm:s6], $0xF7A  }
0x23: {  	s9 =	sor.u32 $0xD0000000, s2;
	s6 =	simm.s32 $0x108;
	_ =	swait.ge @!p0 [sflag:s8], $0x0  }
0x24: {  	s3 =	sadd.s32 $0x88, s3;
	s6 =	simm.s32 @!p1 $0x1082;
	[sflag:s4] =	ssyncset.s32 $0xFFFFF086  }
0x25: {  	[simem:s6], [sflag:s4] =	dma.local [hbm:s3], $0xF7A  }
0x26: {  	[smem:$0x3F9F] =	sst s1;
	(tag) =	ssettag s2;
	_ =	strace s9  }
0x27: {  	s1 =	sld [smem:$0x3FAF]  }
0x28: {  	s2 =	sld [smem:$0x3FB0]  }
0x29: {  	s4 =	sld [smem:$0x3FB2]  }
0x2a: {  	p0 =	seq.s32 s5, $0x0;
	s5 =	sld [smem:$0x3FB3]  }
0x2b: {  	s6 =	sld [smem:$0x3FB4]  }
0x2c: {  	s7 =	sld [smem:$0x3FB5]  }
0x2d: {  	s3 =	simm.s32 $0x108;
	s8 =	sld [smem:$0x3FB6]  }
0x2e: {  	s3 =	simm.s32 @!p0 $0x1082;
	s9 =	sld [smem:$0x3FB7]  }
0x2f: {  	lr =	sadd.s32 s0, s3;
	s0 =	sld [smem:$0x3FAE]  }
0x30: {  	s3 =	sld [smem:$0x3FB1]  }
0x31: {  	[smem:$0x3FBA] =	sst s10  }
0x32: {  	s10 =	sld [smem:$0x3FB8];
	_ =	sdelay $0x3  }
0x33: {  	p0 =	seq.s32 s10, $0x1;
	s10 =	sld [smem:$0x3FBA];
	_ =	sdelay $0x3  }
0x34: {  	[smem:$0x3FBA] =	sst s10  }
0x35: {  	s10 =	sld [smem:$0x3FB9];
	_ =	sdelay $0x3  }
0x36: {  	p1 =	seq.s32 s10, $0x1;
	s10 =	sld [smem:$0x3FBA];
	_ =	sdelay $0x3  }
0x37: {  	[smem:$0x3FBA] =	sst s10  }
0x38: {  	s10 =	sld [smem:$0x3FBB]  }
0x39: {  	_ = 	snop;
	(pc) =	sbr.ind lr, $3  }
0x3a: {  	_ = 	snop  }
0x3b: {  	_ = 	snop  }
0x3c: {  	p2 =	seq.s32 s10, $0x1;
	s10 =	sld [smem:$0x3FBA]  }
0x3d: {  	_ =	shalt  }
0x3e: {  	_ =	shalt  }
0x3f: {  	_ =	shalt  }
0x40: {  	_ =	shalt  }
0x41: {  	_ =	shalt  }
0x42: {  	_ =	shalt  }
0x43: {  	_ =	shalt  }
0x44: {  	_ =	shalt  }
0x45: {  	_ =	shalt  }
0x46: {  	_ =	shalt  }
0x47: {  	_ =	shalt  }
0x48: {  	_ =	shalt  }
0x49: {  	_ =	shalt  }
0x4a: {  	_ =	shalt  }
0x4b: {  	_ =	shalt  }
0x4c: {  	_ =	shalt  }
0x4d: {  	_ =	shalt  }
0x4e: {  	_ =	shalt  }
0x4f: {  	_ =	shalt  }
0x50: {  	_ =	shalt  }
0x51: {  	_ =	shalt  }
0x52: {  	_ =	shalt  }
0x53: {  	_ =	shalt  }
0x54: {  	_ =	shalt  }
0x55: {  	_ =	shalt  }
0x56: {  	_ =	shalt  }
0x57: {  	_ =	shalt  }
0x58: {  	_ =	shalt  }
0x59: {  	_ =	shalt  }
0x5a: {  	_ =	shalt  }
0x5b: {  	_ =	shalt  }
0x5c: {  	_ =	shalt  }
0x5d: {  	_ =	shalt  }
0x5e: {  	_ =	shalt  }
0x5f: {  	_ =	shalt  }
0x60: {  	_ =	shalt  }
0x61: {  	_ =	shalt  }
0x62: {  	_ =	shalt  }
0x63: {  	_ =	shalt  }
0x64: {  	_ =	shalt  }
0x65: {  	_ =	shalt  }
0x66: {  	_ =	shalt  }
0x67: {  	_ =	shalt  }
0x68: {  	_ =	shalt  }
0x69: {  	_ =	shalt  }
0x6a: {  	_ =	shalt  }
0x6b: {  	_ =	shalt  }
0x6c: {  	_ =	shalt  }
0x6d: {  	_ =	shalt  }
0x6e: {  	_ =	shalt  }
0x6f: {  	_ =	shalt  }
0x70: {  	_ =	shalt  }
0x71: {  	_ =	shalt  }
0x72: {  	_ =	shalt  }
0x73: {  	_ =	shalt  }
0x74: {  	_ =	shalt  }
0x75: {  	_ =	shalt  }
0x76: {  	_ =	shalt  }
0x77: {  	_ =	shalt  }
0x78: {  	_ =	shalt  }
0x79: {  	_ =	shalt  }
0x7a: {  	_ =	shalt  }
0x7b: {  	_ =	shalt  }
0x7c: {  	_ =	shalt  }
0x7d: {  	_ =	shalt  }
0x7e: {  	_ =	shalt  }
0x7f: {  	_ =	shalt  }
0x80: {  	_ =	shalt  }
0x81: {  	_ =	shalt  }
0x82: {  	_ =	shalt  }
0x83: {  	_ =	shalt  }
0x84: {  	_ =	shalt  }
0x85: {  	_ =	shalt  }
0x86: {  	_ =	shalt  }
0x87: {  	_ =	shalt  }
.Lfunc_end0:
.L_simem_size_0:
called_computation.1_lowered:
.L_overlay_start_0:
0x88: {  	s2 =	sld [smem:$0x3FD9]  }
0x89: {  	s3 =	sld [smem:$0x3FFE];
	_ =	sdelay $0x1  }
0x8a: {  	s1 =	srdreg.scid  }
0x8b: {  	s0 =	sand.u32 $0x1, s1  }
0x8c: {  	s14 =	sshll.u32 s0, $0xA;
	s2 =	sadd.s32 s3, s2  }
0x8d: {  	s2 =	sadd.s32 s2, s14  }
0x8e: {  	[smem:$0x3FC6] =	sst s2  }
0x8f: {  	_ = 	snop  }
0x90: {  	s2 =	sld [smem:$0x3FD0];
	_ =	sdelay $0x2  }
0x91: {  	s4 =	simm.s32 $0xB;
	s5 =	simm.s32 $0x10;
	s15 =	sld [smem:$0x3FC8]  }
0x92: {  	[smem:s5], [sflag:s4] =	dma.local [hbm:s2], $0x1  }
0x93: {  	_ =	swait.eq [sflag:s4], $0x1  }
0x94: {  	[sflag:s4] =	ssyncset.done $0x0  }
0x95: {  	s16 =	sld [smem:$0x12];
	[sflag:s4] =	ssyncadd.s32 $0xFFFFFFFF  }
0x96: {  	s17 =	sld [smem:$0x13];
	(tm) =	ssettm $0x1  }
0x97: {  	s18 =	sld [smem:$0x3FFB];
	_ =	sdelay $0x3  }
0x98: {  	_ =	strace s18  }
0x99: {  	s5 =	sld [smem:$0x3FFC];
	_ =	sdelay $0x3  }
0x9a: {  	_ =	strace s5  }
0x9b: {  	s5 =	sld [smem:$0x3FFD];
	_ =	sdelay $0x3  }
0x9c: {  	_ =	strace s5  }
0x9d: {  	_ =	strace $0x8FFFFFFF  }
0x9e: {  	s19 =	sld [smem:$0x3FDB];
	_ =	sdelay $0x1  }
0x9f: {  	s6 =	simm.s32 $_scs_section_size  }
0xa0: {  	s7 =	simm.s32 $_size__tile_overlayer_lowered;
	s8 =	simm.s32 $_tile_overlayer_lowered  }
0xa1: {  	s22 =	simm.s32 $0x1BFF;
	s21 =	sshll.u32 s8, $0x1;
	s5 =	sadd.s32 s6, s19  }
0xa2: {  	s9 =	simm.s32 $0x0;
	s20 =	sshll.u32 s7, $0x1;
	s7 =	sadd.s32 s21, s5  }
0xa3: {  	[timem:s9], [sflag:s22] =	dma.local [hbm:s7], s20  }
0xa4: {  	_ =	swait.ge [sflag:s22], s20  }
0xa5: {  	s6 =	ssub.s32 $0x0, s20;
	[sflag:s22] =	ssyncset.done $0x0  }
0xa6: {  	[sflag:s22] =	ssyncadd.s32 s6;
	_ =	sdelay $0x1  }
0xa7: {  	s23 =	simm.s32 $0x1B8B  }
0xa8: {  	_ =	swait.ge [sflag:s23], $0x1  }
0xa9: {  	[sflag:s23] =	ssyncset.done $0x0  }
0xaa: {  	s25 =	simm.s32 $0x1B8E;
	s24 =	sld [smem:$0x3FFE];
	[sflag:s23] =	ssyncadd.s32 $0xFFFFFFFF  }
0xab: {  	s26 =	simm.s32 $execute0_lowered;
	[smem:$0x3FD2] =	sst s25  }
0xac: {  	s7 =	sshll.u32 s26, $0x1;
	_ =	strace $0x80000046;
	[dreg:$0x1] =	wrdreg $0xFFFFFFFF  }
0xad: {  	s28 =	simm.s32 $_size_execute0_lowered;
	s5 =	sadd.s32 s5, s7;
	[dreg:$0x0] =	wrdreg $0x0  }
0xae: {  	s7 =	sshll.u32 s28, $0x1;
	[dreg:$0x2] =	wrdreg s5  }
0xaf: {  	[dreg:$0x3] =	wrdreg s7  }
0xb0: {  	[dreg:$0x4] =	wrdreg $0xC0  }
0xb1: {  	_ =	task [dreg:s9], $0x5FFFF  }
0xb2: {  	[dreg:$0x1] =	wrdreg $0xFFFFFFFF  }
0xb3: {  	[dreg:$0x0] =	wrdreg $0x60  }
0xb4: {  	[dreg:$0x2] =	wrdreg s16  }
0xb5: {  	[dreg:$0x3] =	wrdreg s15  }
0xb6: {  	[dreg:$0x4] =	wrdreg s24  }
0xb7: {  	[dreg:$0x5] =	wrdreg s17  }
0xb8: {  	[dreg:$0x6] =	wrdreg $0xA  }
0xb9: {  	_ =	task.clear_ibuf [dreg:s9], $0x7FFFF;
	_ =	strace $0x90000046  }
0xba: {  	s29 =	simm.s32 $0xA;
	_ =	strace $0x80000048  }
0xbb: {  	_ =	swait.ge [sflag:s29], $0x1  }
0xbc: {  	[sflag:s29] =	ssyncadd.s32 $0xFFFFFFFF  }
0xbd: {  	_ =	strace $0x90000048  }
0xbe: {  	_ =	sfence  }
0xbf: {  	s30 =	sld [smem:$0x0];
	_ =	sdelay $0x2  }
0xc0: {  	s31 =	sshll.u32 s1, $0xD;
	s1 =	sshrl.u32 s1, $0x2  }
0xc1: {  	s3 =	sand.u32 $0x4000, s31;
	s1 =	sadd.s32 s1, s30  }
0xc2: {  	s0 =	sor.u32 s3, s0;
	s1 =	sshll.u32 s1, $0x11  }
0xc3: {  	s0 =	sor.u32 s1, s0  }
0xc4: {  	s0 =	sadd.s32 $0x8F2B, s0  }
0xc5: {  	[sflag:s0] =	ssyncadd.remote.s32 $0x1  }
0xc6: {  	_ =	sfence.sel $0xFFFF  }
0xc7: {  	[dreg:$0x0] =	wrdreg $0xFFFFFFFF;
	(pc) =	sbr.abs _section_cstart, $3  }
0xc8: {  	[dreg:$0x1] =	wrdreg $0xFFFFFFFF  }
0xc9: {  	_ =	task.clear_ibuf [dreg:s9], $0x2FFFF;
	_ =	strace $0x9FFFFFFF  }
0xca: {  	(tm) =	ssettm $0x7FFFFFFF  }
0xcb: {  	_ =	shalt  }
tec
execute0_lowered:
.L_overlay_start_1:
0x0: {  	(tag) =	ssettag $0x1  }
0x1: {  	s8 =	rddreg [dreg:$0x0]  }
0x2: {  	s1 =	rddreg [dreg:$0x1]  }
0x3: {  	s5 =	rddreg [dreg:$0x2]  }
0x4: {  	s6 =	rddreg [dreg:$0x3]  }
0x5: {  	s0 =	rddreg [dreg:$0x4];
	s3 =	simm.s32 $0x0;
	s4 =	srdreg.scid  }
0x6: {  	s2 =	stileid.u32;
	s13 =	simm.s32 $0x4100;
	s14 =	simm.s32 $0xC100  }
0x7: {  	s15 =	simm.s32 $0x1;
	s16 =	simm.s32 $0x2;
	s17 =	simm.s32 $0x0  }
0x8: {  	[smem:$0x7FF] =	sst s3;
	s7 =	sand.u32 $0x1, s4;
	s9 =	sshll.u32 s2, $0x11  }
0x9: {  	s4 =	sadd.s32 $0x1000, s5;
	s30 =	sshll.u32 s2, $0xD;
	_ =	strace $0x80000047  }
0xa: {  	s10 =	ssub.s32 $0x2, s7;
	s11 =	sadd.s32 s9, s5;
	s12 =	sshll.u32 s7, $0xC  }
0xb: {  	s7 =	sshll.u32 s7, $0x10;
	s6 =	sadd.s32 s9, s6;
	s9 =	simm.s32 $0x3  }
0xc: {  	s29 =	sshrl.u32 s10, $0x1;
	s31 =	sadd.s32 s7, s11;
	s6 =	sadd.s32 s7, s6  }
0xd: {  	s11 =	simm.s32 $0x100;
	s5 =	ssub.s32 s10, s29;
	s10 =	sor.u32 s12, s30  }
0xe: {  	s7 =	sadd.s32 $0x81000, s31;
	s12 =	simm.s32 $0x8100;
	s10 =	sshrl.u32 s10, $0x3  }
0xf: {  	s5 =	smax.u32 s5, $0x1;
	s8 =	sadd.s32 s10, s8;
	s10 =	simm.s32 $0x80  }
.LBB2_1:
0x10: {  	[tilespmem:s3], [sflag:$0x3] =	stream.linear.gather [hbm4b:s8+s3], $0x100, $0x38;
	[tilespmem:$0x10100] =	vst v63  }
0x11: {  	_ =	swait.ge [sflag:s9], $0x100  }
0x12: {  	[sflag:s9] =	ssyncset.done $0x0  }
0x13: {  	[sflag:s9] =	ssyncadd.s32 $0xFFFFFF00  }
0x14: {  	[tilespmem:s11], [sflag:$0x1] =	stream.indirect.gather [hbm4b:s1+s10], $0x80, s3, s10, $0xb8;
	[tilespmem:$0x10100] =	vst v63  }
0x15: {  	_ = 	snop  }
0x16: {  	[tilespmem:s12], [sflag:$0x2] =	stream.indirect.gather [hbm4b:s4+s10], $0x80, s3, s10, $0xb8;
	[tilespmem:$0x10100] =	vst v63  }
0x17: {  	_ = 	snop  }
0x18: {  	[tilespmem:s13], [sflag:$0x1] =	stream.indirect.gather [hbm4b:s1+s10], $0x80, s10, s10, $0xb8;
	[tilespmem:$0x10100] =	vst v63  }
0x19: {  	_ = 	snop  }
0x1a: {  	[tilespmem:s14], [sflag:$0x2] =	stream.indirect.gather [hbm4b:s4+s10], $0x80, s10, s10, $0xb8;
	[tilespmem:$0x10100] =	vst v63  }
0x1b: {  	_ =	swait.ge [sflag:s15], $0x4000  }
0x1c: {  	[sflag:s15] =	ssyncset.done $0x0  }
0x1d: {  	[sflag:s15] =	ssyncadd.s32 $0xFFFFC000  }
0x1e: {  	_ =	swait.ge [sflag:s16], $0x4000  }
0x1f: {  	[sflag:s16] =	ssyncset.done $0x0  }
0x20: {  	[sflag:s16] =	ssyncadd.s32 $0xFFFFC000  }
0x21: {  	_ =	swait.ge [sflag:s15], $0x4000  }
0x22: {  	[sflag:s15] =	ssyncset.done $0x0  }
0x23: {  	[sflag:s15] =	ssyncadd.s32 $0xFFFFC000  }
0x24: {  	_ =	swait.ge [sflag:s16], $0x4000  }
0x25: {  	[sflag:s16] =	ssyncset.done $0x0  }
0x26: {  	s18 =	sadd.s32 $0x0, s6;
	[sflag:s16] =	ssyncadd.s32 $0xFFFFC000  }
0x27: {  	[hbm4b:s18+s3] =	stream.linear.scatter [tilespmem:s11], [sflag:$0x3], $0x8000, $0x38;
	[tilespmem:$0x10100] =	vst v63  }
0x28: {  	_ =	swait.ge [sflag:s9], $0x8000  }
0x29: {  	[sflag:s9] =	ssyncset.done $0x0  }
0x2a: {  	s31 =	sadd.s32 $0x0, s7;
	[sflag:s9] =	ssyncadd.s32 $0xFFFF8000  }
0x2b: {  	[hbm4b:s31+s3] =	stream.linear.scatter [tilespmem:s12], [sflag:$0x3], $0x8000, $0x38;
	[tilespmem:$0x10100] =	vst v63  }
0x2c: {  	_ =	swait.ge [sflag:s9], $0x8000  }
0x2d: {  	s19 =	smov.u32 s8;
	s18 =	simm.s32 $0x1000;
	[sflag:s9] =	ssyncset.done $0x0  }
.LBB2_2:
0x2e: {  	p0 =	sne.s32 s18, $0xF000;
	[sflag:s9] =	ssyncadd.s32 $0xFFFF8000;
	s19 =	sadd.s32 $0x20, s19  }
0x2f: {  	[tilespmem:s3], [sflag:$0x3] =	stream.linear.gather [hbm4b:s19+s3], $0x100, $0x38;
	[tilespmem:$0x10100] =	vst v63  }
0x30: {  	s20 =	smov.u32 s18;
	s18 =	sadd.s32 $0x1000, s18;
	_ =	swait.ge [sflag:s9], $0x100  }
0x31: {  	[sflag:s9] =	ssyncset.done $0x0  }
0x32: {  	[sflag:s9] =	ssyncadd.s32 $0xFFFFFF00  }
0x33: {  	[tilespmem:s11], [sflag:$0x1] =	stream.indirect.gather [hbm4b:s1+s10], $0x80, s3, s10, $0xb8;
	[tilespmem:$0x10100] =	vst v63  }
0x34: {  	_ = 	snop  }
0x35: {  	[tilespmem:s12], [sflag:$0x2] =	stream.indirect.gather [hbm4b:s4+s10], $0x80, s3, s10, $0xb8;
	[tilespmem:$0x10100] =	vst v63  }
0x36: {  	_ = 	snop  }
0x37: {  	[tilespmem:s13], [sflag:$0x1] =	stream.indirect.gather [hbm4b:s1+s10], $0x80, s10, s10, $0xb8;
	[tilespmem:$0x10100] =	vst v63  }
0x38: {  	_ = 	snop  }
0x39: {  	[tilespmem:s14], [sflag:$0x2] =	stream.indirect.gather [hbm4b:s4+s10], $0x80, s10, s10, $0xb8;
	[tilespmem:$0x10100] =	vst v63  }
0x3a: {  	_ =	swait.ge [sflag:s15], $0x4000  }
0x3b: {  	[sflag:s15] =	ssyncset.done $0x0  }
0x3c: {  	[sflag:s15] =	ssyncadd.s32 $0xFFFFC000  }
0x3d: {  	_ =	swait.ge [sflag:s16], $0x4000  }
0x3e: {  	[sflag:s16] =	ssyncset.done $0x0  }
0x3f: {  	[sflag:s16] =	ssyncadd.s32 $0xFFFFC000  }
0x40: {  	_ =	swait.ge [sflag:s15], $0x4000  }
0x41: {  	[sflag:s15] =	ssyncset.done $0x0  }
0x42: {  	[sflag:s15] =	ssyncadd.s32 $0xFFFFC000  }
0x43: {  	_ =	swait.ge [sflag:s16], $0x4000  }
0x44: {  	[sflag:s16] =	ssyncset.done $0x0  }
0x45: {  	s21 =	sadd.s32 s20, s6;
	[sflag:s16] =	ssyncadd.s32 $0xFFFFC000  }
0x46: {  	[hbm4b:s21+s3] =	stream.linear.scatter [tilespmem:s11], [sflag:$0x3], $0x8000, $0x38;
	[tilespmem:$0x10100] =	vst v63  }
0x47: {  	_ =	swait.ge [sflag:s9], $0x8000  }
.Ltmp0:
0x48: {  	[sflag:s9] =	ssyncset.done $0x0;
	(pc) =	sbr.rel @p0 .LBB2_2-.Ltmp0, $4  }
0x49: {  	s20 =	sadd.s32 s20, s7;
	[sflag:s9] =	ssyncadd.s32 $0xFFFF8000  }
0x4a: {  	[hbm4b:s20+s3] =	stream.linear.scatter [tilespmem:s12], [sflag:$0x3], $0x8000, $0x38;
	[tilespmem:$0x10100] =	vst v63  }
0x4b: {  	_ =	swait.ge [sflag:s9], $0x8000  }
0x4c: {  	[sflag:s9] =	ssyncset.done $0x0  }
0x4d: {  	s17 =	sadd.s32 $0x1, s17  }
0x4e: {  	p0 =	sne.s32 s17, s5  }
.Ltmp1:
0x4f: {  	_ = 	snop;
	(pc) =	sbr.rel @p0 .LBB2_1-.Ltmp1, $2  }
0x50: {  	_ =	sdelay $0x2  }
0x51: {  	[sflag:s9] =	ssyncadd.s32 $0xFFFF8000  }
0x52: {  	_ =	sfence.sel $0x180000  }
0x53: {  	[bflag:$0x0] =	sbarrier.arrive $0xFFFF  }
0x54: {  	p0 =	sne.s32 s2, $0x0;
	_ =	strace $0x90000047  }
0x55: {  	s0 =	sadd.s32 @!p0 $0x100000, s0;
	[bflag:$0x2] =	sbarrier.arrive $0xFFFF  }
0x56: {  	[sflag:s0] =	ssyncadd.tile.s32 @!p0 $0x1;
	_ =	shalt  }
.Lfunc_end2:
_tile_overlayer_lowered:
.L_overlay_start_2:
0x57: {  	(tag) =	ssettag $0x2  }
0x58: {  	s0 =	rddreg [dreg:$0x0];
	s2 =	stileid.u32  }
0x59: {  	s1 =	rddreg [dreg:$0x1];
	p0 =	sne.s32 s2, $0x0  }
0x5a: {  	s3 =	rddreg [dreg:$0x2];
	[bflag:$0x3] =	sbarrier.arrive $0xFFFF;
	s2 =	simm.s32 @!p0 $0x1C03  }
0x5b: {  	[timem:s3], [sflag:s2] =	dma.local @!p0 [hbm:s0], s1  }
0x5c: {  	s0 =	simm.s32 @!p0 $0x3  }
0x5d: {  	_ =	swait.ge @!p0 [sflag:s0], s1  }
0x5e: {  	s1 =	ssub.s32 @!p0 $0x0, s1;
	[sflag:s0] =	ssyncset.done @!p0 $0x0  }
0x5f: {  	[sflag:s0] =	ssyncadd.s32 @!p0 s1  }
0x60: {  	[bflag:$0x3] =	sbarrier.arrive $0xFFFF  }
0x61: {  	_ =	shalt  }

</sc_bundles>
